<compile_context>
chip_gen: v7x
topology: tpu7x:2x2x1
jax: 0.10.2.dev20260603
libtpu: 0.0.44.dev20260713+nightly
codegen_flags: <defaults>
</compile_context>

<pallas_src>
import functools

import jax
import jax.numpy as jnp
from jax import lax
from jax.experimental import pallas as pl
from jax.experimental.pallas import tpu as pltpu
from jax.experimental.pallas import tpu_sc as plsc

_N = 512
_IN = 128
_HID = 64
_HEADS = 4
_OUT = 128
_E = 8192
_NEG = -9e15


@functools.lru_cache(maxsize=None)
def _make_edge_scatter(H):
    info = plsc.get_sparse_core_info()
    NC, NS, L = info.num_cores, info.num_subcores, info.num_lanes
    NW = NC * NS
    GROUPS = NW // H
    ROWS = _N // GROUPS
    CHUNKS = _E // L

    @functools.partial(
        pl.kernel,
        out_type=jax.ShapeDtypeStruct((H, _N, _N), jnp.float32),
        mesh=plsc.VectorSubcoreMesh(core_axis_name="c", subcore_axis_name="s"),
        compiler_params=pltpu.CompilerParams(needs_layout_passes=False),
        scratch_types=[
            pltpu.VMEM((_E,), jnp.int32),
            pltpu.VMEM((_E,), jnp.int32),
            pltpu.VMEM((_N,), jnp.float32),
            pltpu.VMEM((_N,), jnp.float32),
            pltpu.VMEM((L,), jnp.float32),
            pltpu.VMEM((ROWS, _N), jnp.float32),
        ],
    )
    def edge_scatter(s1_hbm, s2_hbm, src_hbm, dst_hbm, c_hbm, out_hbm,
                     src_v, dst_v, s1_v, s2_v, c_v, blk_v):
        wid = lax.axis_index("s") * NC + lax.axis_index("c")
        head = wid // GROUPS
        base = (wid % GROUPS) * ROWS
        pltpu.sync_copy(src_hbm, src_v)
        pltpu.sync_copy(dst_hbm, dst_v)
        pltpu.sync_copy(s1_hbm.at[pl.ds(head * _N, _N)], s1_v)
        pltpu.sync_copy(s2_hbm.at[pl.ds(head * _N, _N)], s2_v)
        pltpu.sync_copy(c_hbm.at[pl.ds(head * L, L)], c_v)

        cvec = c_v[:]

        @plsc.parallel_loop(0, ROWS, 1, unroll=2)
        def _fill(r):
            for j in range(_N // L):
                blk_v[r, pl.ds(j * L, L)] = cvec

        @plsc.parallel_loop(0, CHUNKS, 1, unroll=4)
        def _scan(e):
            sv = src_v[pl.ds(e * L, L)]
            dv = dst_v[pl.ds(e * L, L)]
            local = sv - base
            mask = (local >= 0) & (local < ROWS)
            local = jnp.where(mask, local, 0)
            v1 = plsc.load_gather(s1_v, [sv])
            v2 = plsc.load_gather(s2_v, [dv])
            val = v1 + v2
            val = jnp.where(val >= 0.0, val, 0.2 * val)
            plsc.store_scatter(blk_v, [local, dv], val, mask=mask)

        pltpu.sync_copy(blk_v, out_hbm.at[head, pl.ds(base, ROWS), :])

    return edge_scatter


_CONTRACT_MINOR = (((1,), (1,)), ((), ()))


def _scores_and_const(wh, a_ref, H, d, s1_ref, s2_ref, c_ref):
    for h in range(H):
        whh = wh[:, h * d:(h + 1) * d]
        s1_ref[h, :] = jnp.dot(whh, a_ref[h, :d],
                               preferred_element_type=jnp.float32)
        s2_ref[h, :] = jnp.dot(whh, a_ref[h, d:],
                               preferred_element_type=jnp.float32)
    craw = _NEG * jnp.sum(a_ref[:], axis=1, keepdims=True)
    cv = jnp.where(craw >= 0, craw, 0.2 * craw)
    c_ref[:] = jnp.broadcast_to(cv, (H, 16))


def _softmax_matmul(l, wh):
    m = jnp.max(l, axis=1, keepdims=True)
    p = jnp.exp(l - m)
    s = jnp.sum(p, axis=1, keepdims=True)
    o = jnp.dot(p / s, wh, preferred_element_type=jnp.float32)
    return jnp.where(o > 0, o, jnp.exp(o) - 1.0)


def _pre_stage(x, w, a):
    n = x.shape[0]
    H, twod = a.shape
    d = twod // 2

    def kern(x_ref, w_ref, a_ref, wh_ref, s1_ref, s2_ref, c_ref):
        wh = lax.dot_general(x_ref[:], w_ref[:], _CONTRACT_MINOR,
                             preferred_element_type=jnp.float32)
        wh_ref[:] = wh
        _scores_and_const(wh, a_ref, H, d, s1_ref, s2_ref, c_ref)

    return pl.pallas_call(
        kern,
        out_shape=(
            jax.ShapeDtypeStruct((n, H * d), jnp.float32),
            jax.ShapeDtypeStruct((H, n), jnp.float32),
            jax.ShapeDtypeStruct((H, n), jnp.float32),
            jax.ShapeDtypeStruct((H, 16), jnp.float32),
        ),
    )(x, w, a)


def _mid_stage(logits1, wh1, w2, a2):

    def kern(l_ref, wh_ref, w2_ref, a_ref, wh2_ref, s1_ref, s2_ref, c_ref):
        outs = [_softmax_matmul(l_ref[h],
                                wh_ref[:, h * _HID:(h + 1) * _HID])
                for h in range(_HEADS)]
        out1 = jnp.concatenate(outs, axis=1)
        wh2 = lax.dot_general(out1, w2_ref[:], _CONTRACT_MINOR,
                              preferred_element_type=jnp.float32)
        wh2_ref[:] = wh2
        _scores_and_const(wh2, a_ref, 1, _OUT, s1_ref, s2_ref, c_ref)

    return pl.pallas_call(
        kern,
        out_shape=(
            jax.ShapeDtypeStruct((_N, _OUT), jnp.float32),
            jax.ShapeDtypeStruct((1, _N), jnp.float32),
            jax.ShapeDtypeStruct((1, _N), jnp.float32),
            jax.ShapeDtypeStruct((1, 16), jnp.float32),
        ),
    )(logits1, wh1, w2, a2)


def _final_stage(logits2, wh2):

    def kern(l_ref, wh_ref, o_ref):
        o = _softmax_matmul(l_ref[0], wh_ref[:])
        o_ref[:] = jnp.where(o > 0, o, jnp.exp(o) - 1.0)

    return pl.pallas_call(
        kern,
        out_shape=jax.ShapeDtypeStruct((_N, _OUT), jnp.float32),
    )(logits2, wh2)


def kernel(h, edge_index, fc1, attn1, fc2, attn2):
    src = edge_index[0].astype(jnp.int32)
    dst = edge_index[1].astype(jnp.int32)

    wh1, s1, s2, c1 = _pre_stage(h, fc1.reshape(_HEADS * _HID, _IN),
                                 attn1.reshape(_HEADS, 2 * _HID))
    logits1 = _make_edge_scatter(_HEADS)(s1.reshape(-1), s2.reshape(-1),
                                         src, dst, c1.reshape(-1))
    wh2, s1_2, s2_2, c2 = _mid_stage(logits1, wh1, fc2, attn2)

    logits2 = _make_edge_scatter(1)(s1_2.reshape(-1), s2_2.reshape(-1),
                                    src, dst, c2.reshape(-1))
    return _final_stage(logits2, wh2)

# --- scband reference (transcript-rebuilt; emitter-appended) ---
"""Pipeline reference for scband-graph-attention-network-87411174408212 (READ-ONLY COPY).

The authoritative reference and input builder live on the scoring server;
editing this copy changes nothing except your own understanding.
"""

import jax, jax.numpy as jnp
import numpy as np

N = 512
IN_DIM = 128
HID = 64
HEADS = 4
OUT = 128
E = 8192
NEG = -9e15


def setup_inputs(seed: int = 0) -> dict:
    key = jax.random.key(seed)
    ks = jax.random.split(key, 6)
    h = jax.random.normal(ks[0], (N, IN_DIM), dtype=jnp.float32)
    edge_index = jax.random.randint(ks[1], (2, E), 0, N, dtype=jnp.int64)
    # layer1: HEADS attention heads, fc: [out,in], attn_fc: [1, 2*out]
    fc1 = jax.random.normal(ks[2], (HEADS, HID, IN_DIM), dtype=jnp.float32) * 0.1
    attn1 = jax.random.normal(ks[3], (HEADS, 1, 2 * HID), dtype=jnp.float32) * 0.1
    # layer2: single head, in = HEADS*HID, out = OUT
    fc2 = jax.random.normal(ks[4], (OUT, HEADS * HID), dtype=jnp.float32) * 0.1
    attn2 = jax.random.normal(ks[5], (1, 2 * OUT), dtype=jnp.float32) * 0.1
    return {"h": h, "edge_index": edge_index, "fc1": fc1, "attn1": attn1, "fc2": fc2, "attn2": attn2}


def _leaky_relu(x, slope=0.2):
    return jnp.where(x >= 0, x, slope * x)


def _gat_layer(h, W, a, src, dst, out_dim):
    # dropout omitted (eval / deterministic reference)
    Wh = h @ W.T                                        # [N, out_dim]
    cat = jnp.concatenate([Wh[src], Wh[dst]], axis=-1)  # [E, 2*out_dim] (gather)
    Wij = jnp.full((N, N, 2 * out_dim), NEG, dtype=Wh.dtype)
    Wij = Wij.at[src, dst].set(cat)                     # scatter-overwrite at edges
    e = _leaky_relu(Wij @ a.T, 0.2)                     # [N, N, 1]
    alpha = jax.nn.softmax(e, axis=1)                   # softmax over neighbors j
    # alpha [N,N,1] * Wh broadcast as [1,N,out_dim], sum over dim 1
    h_out = jnp.sum(alpha * Wh[None, :, :], axis=1)     # [N, out_dim]
    return h_out


def reference(h, edge_index, fc1, attn1, fc2, attn2):
    src, dst = edge_index[0], edge_index[1]
    # layer1: multi-head, elu per head, concat
    head_outs = [jax.nn.elu(_gat_layer(h, fc1[i], attn1[i], src, dst, HID)) for i in range(HEADS)]
    out1 = jnp.concatenate(head_outs, axis=1)           # [N, HEADS*HID]
    # layer2: single head, elu inside MultiHeadLayer, mean over 1-head stack is identity
    out2 = jax.nn.elu(_gat_layer(out1, fc2, attn2, src, dst, OUT))
    # final elu in GraphAttentionNetwork.forward
    return jax.nn.elu(out2)

if __name__ == "__main__":
    import jax
    _d = setup_inputs()
    print(jax.jit(kernel)(*tuple(_d.values())))

</pallas_src>

<mosaic_0001>
#map = affine_map<(d0, d1) -> (0)>
#map1 = affine_map<(d0, d1) -> (0, 0, 0)>
module attributes {stable_mosaic.version = 14 : i64} {
  func.func @edge_scatter(%arg0: i32, %arg1: i32, %arg2: memref<512xf32, #tpu.memory_space<hbm>>, %arg3: memref<512xf32, #tpu.memory_space<hbm>>, %arg4: memref<8192xi32, #tpu.memory_space<hbm>>, %arg5: memref<8192xi32, #tpu.memory_space<hbm>>, %arg6: memref<16xf32, #tpu.memory_space<hbm>>, %arg7: memref<1x512x512xf32, #tpu.memory_space<hbm>>, %arg8: memref<8192xi32, #tpu.memory_space<vmem>>, %arg9: memref<8192xi32, #tpu.memory_space<vmem>>, %arg10: memref<512xf32, #tpu.memory_space<vmem>>, %arg11: memref<512xf32, #tpu.memory_space<vmem>>, %arg12: memref<16xf32, #tpu.memory_space<vmem>>, %arg13: memref<16x512xf32, #tpu.memory_space<vmem>>) attributes {dimension_semantics = [#tpu.dimension_semantics<core_parallel>, #tpu.dimension_semantics<subcore_parallel>], iteration_bounds = array<i64: 2, 16>, scalar_prefetch = 0 : i64, scratch_operands = 6 : i64, tpu.core_type = #tpu.core_type<sc_vector_subcore>, window_params = [{transform_indices = #map}, {transform_indices = #map}, {transform_indices = #map}, {transform_indices = #map}, {transform_indices = #map}, {transform_indices = #map1}]} {
    %mul3A = arith.constant 2 : i32
    %mul3A_0 = arith.muli %arg1, %mul3A : i32
    %add3A = arith.addi %mul3A_0, %arg0 : i32
    %jit3A = arith.constant 32 : i32
    %div3A = arith.divsi %add3A, %jit3A : i32
    %sign3A = arith.constant 0 : i32
    %sign3A_1 = arith.cmpi sgt, %add3A, %sign3A : i32
    %sign3A_2 = arith.extui %sign3A_1 : i1 to i32
    %sign3A_3 = arith.constant 0 : i32
    %sign3A_4 = arith.cmpi slt, %add3A, %sign3A_3 : i32
    %sign3A_5 = arith.extui %sign3A_4 : i1 to i32
    %sign3A_6 = arith.subi %sign3A_2, %sign3A_5 : i32
    %sign3A_7 = arith.constant 0 : i32
    %sign3A_8 = arith.cmpi sgt, %jit3A, %sign3A_7 : i32
    %sign3A_9 = arith.extui %sign3A_8 : i1 to i32
    %sign3A_10 = arith.constant 0 : i32
    %sign3A_11 = arith.cmpi slt, %jit3A, %sign3A_10 : i32
    %sign3A_12 = arith.extui %sign3A_11 : i1 to i32
    %sign3A_13 = arith.subi %sign3A_9, %sign3A_12 : i32
    %ne3A = arith.cmpi ne, %sign3A_6, %sign3A_13 : i32
    %rem3A = arith.remsi %add3A, %jit3A : i32
    %ne3A_14 = arith.constant 0 : i32
    %ne3A_15 = arith.cmpi ne, %rem3A, %ne3A_14 : i32
    %and3A = arith.andi %ne3A, %ne3A_15 : i1
    %sub3A = arith.constant 1 : i32
    %sub3A_16 = arith.subi %div3A, %sub3A : i32
    %select_n3A = arith.select %and3A, %sub3A_16, %div3A : i32
    %jit3A_17 = arith.constant 32 : i32
    %eq3A = arith.constant 0 : i32
    %eq3A_18 = arith.cmpi eq, %jit3A_17, %eq3A : i32
    %jit3A_19 = arith.constant 1 : i32
    %select_n3A_20 = arith.select %eq3A_18, %jit3A_19, %jit3A_17 : i32
    %rem3A_21 = arith.remsi %add3A, %select_n3A_20 : i32
    %ne3A_22 = arith.constant 0 : i32
    %ne3A_23 = arith.cmpi ne, %rem3A_21, %ne3A_22 : i32
    %lt3A = arith.constant 0 : i32
    %lt3A_24 = arith.cmpi slt, %rem3A_21, %lt3A : i32
    %lt3A_25 = arith.constant 0 : i32
    %lt3A_26 = arith.cmpi slt, %select_n3A_20, %lt3A_25 : i32
    %ne3A_27 = arith.xori %lt3A_24, %lt3A_26 : i1
    %and3A_28 = arith.andi %ne3A_27, %ne3A_23 : i1
    %add3A_29 = arith.addi %rem3A_21, %select_n3A_20 : i32
    %select_n3A_30 = arith.select %and3A_28, %add3A_29, %rem3A_21 : i32
    %mul3A_31 = arith.constant 16 : i32
    %mul3A_32 = arith.muli %select_n3A_30, %mul3A_31 : i32
    "tpu.region"() ({
      %run_scoped3A = tpu.sem_alloc : memref<!tpu.dma_semaphore, #tpu.memory_space<semaphore_mem>>
      tpu.enqueue_dma source(%arg4 : memref<8192xi32, #tpu.memory_space<hbm>>) target(%arg8 : memref<8192xi32, #tpu.memory_space<vmem>>) target_semaphore(%run_scoped3A : memref<!tpu.dma_semaphore, #tpu.memory_space<semaphore_mem>>)
      tpu.wait_dma2 semaphore(%run_scoped3A : memref<!tpu.dma_semaphore, #tpu.memory_space<semaphore_mem>>) src(%arg4 : memref<8192xi32, #tpu.memory_space<hbm>>) dst(%arg8 : memref<8192xi32, #tpu.memory_space<vmem>>)
      tpu.yield
    }) : () -> ()
    "tpu.region"() ({
      %run_scoped3A = tpu.sem_alloc : memref<!tpu.dma_semaphore, #tpu.memory_space<semaphore_mem>>
      tpu.enqueue_dma source(%arg5 : memref<8192xi32, #tpu.memory_space<hbm>>) target(%arg9 : memref<8192xi32, #tpu.memory_space<vmem>>) target_semaphore(%run_scoped3A : memref<!tpu.dma_semaphore, #tpu.memory_space<semaphore_mem>>)
      tpu.wait_dma2 semaphore(%run_scoped3A : memref<!tpu.dma_semaphore, #tpu.memory_space<semaphore_mem>>) src(%arg5 : memref<8192xi32, #tpu.memory_space<hbm>>) dst(%arg9 : memref<8192xi32, #tpu.memory_space<vmem>>)
      tpu.yield
    }) : () -> ()
    %mul3A_33 = arith.constant 512 : i32
    %mul3A_34 = arith.muli %select_n3A, %mul3A_33 : i32
    "tpu.region"() ({
      %run_scoped3A = tpu.sem_alloc : memref<!tpu.dma_semaphore, #tpu.memory_space<semaphore_mem>>
      %dma_start3A = tpu.memref_slice %arg2[%mul3A_34] : memref<512xf32, #tpu.memory_space<hbm>> -> memref<512xf32, #tpu.memory_space<hbm>>
      %dma_start3A_45 = tpu.memref_slice %arg2[%mul3A_34] : memref<512xf32, #tpu.memory_space<hbm>> -> memref<512xf32, #tpu.memory_space<hbm>>
      tpu.enqueue_dma source(%dma_start3A_45 : memref<512xf32, #tpu.memory_space<hbm>>) target(%arg10 : memref<512xf32, #tpu.memory_space<vmem>>) target_semaphore(%run_scoped3A : memref<!tpu.dma_semaphore, #tpu.memory_space<semaphore_mem>>)
      %dma_wait3A = tpu.memref_slice %arg2[%mul3A_34] : memref<512xf32, #tpu.memory_space<hbm>> -> memref<512xf32, #tpu.memory_space<hbm>>
      %dma_wait3A_46 = tpu.memref_slice %arg2[%mul3A_34] : memref<512xf32, #tpu.memory_space<hbm>> -> memref<512xf32, #tpu.memory_space<hbm>>
      tpu.wait_dma2 semaphore(%run_scoped3A : memref<!tpu.dma_semaphore, #tpu.memory_space<semaphore_mem>>) src(%dma_wait3A_46 : memref<512xf32, #tpu.memory_space<hbm>>) dst(%arg10 : memref<512xf32, #tpu.memory_space<vmem>>)
      tpu.yield
    }) : () -> ()
    %mul3A_35 = arith.constant 512 : i32
    %mul3A_36 = arith.muli %select_n3A, %mul3A_35 : i32
    "tpu.region"() ({
      %run_scoped3A = tpu.sem_alloc : memref<!tpu.dma_semaphore, #tpu.memory_space<semaphore_mem>>
      %dma_start3A = tpu.memref_slice %arg3[%mul3A_36] : memref<512xf32, #tpu.memory_space<hbm>> -> memref<512xf32, #tpu.memory_space<hbm>>
      %dma_start3A_45 = tpu.memref_slice %arg3[%mul3A_36] : memref<512xf32, #tpu.memory_space<hbm>> -> memref<512xf32, #tpu.memory_space<hbm>>
      tpu.enqueue_dma source(%dma_start3A_45 : memref<512xf32, #tpu.memory_space<hbm>>) target(%arg11 : memref<512xf32, #tpu.memory_space<vmem>>) target_semaphore(%run_scoped3A : memref<!tpu.dma_semaphore, #tpu.memory_space<semaphore_mem>>)
      %dma_wait3A = tpu.memref_slice %arg3[%mul3A_36] : memref<512xf32, #tpu.memory_space<hbm>> -> memref<512xf32, #tpu.memory_space<hbm>>
      %dma_wait3A_46 = tpu.memref_slice %arg3[%mul3A_36] : memref<512xf32, #tpu.memory_space<hbm>> -> memref<512xf32, #tpu.memory_space<hbm>>
      tpu.wait_dma2 semaphore(%run_scoped3A : memref<!tpu.dma_semaphore, #tpu.memory_space<semaphore_mem>>) src(%dma_wait3A_46 : memref<512xf32, #tpu.memory_space<hbm>>) dst(%arg11 : memref<512xf32, #tpu.memory_space<vmem>>)
      tpu.yield
    }) : () -> ()
    %mul3A_37 = arith.constant 16 : i32
    %mul3A_38 = arith.muli %select_n3A, %mul3A_37 : i32
    "tpu.region"() ({
      %run_scoped3A = tpu.sem_alloc : memref<!tpu.dma_semaphore, #tpu.memory_space<semaphore_mem>>
      %dma_start3A = tpu.memref_slice %arg6[%mul3A_38] : memref<16xf32, #tpu.memory_space<hbm>> -> memref<16xf32, #tpu.memory_space<hbm>>
      %dma_start3A_45 = tpu.memref_slice %arg6[%mul3A_38] : memref<16xf32, #tpu.memory_space<hbm>> -> memref<16xf32, #tpu.memory_space<hbm>>
      tpu.enqueue_dma source(%dma_start3A_45 : memref<16xf32, #tpu.memory_space<hbm>>) target(%arg12 : memref<16xf32, #tpu.memory_space<vmem>>) target_semaphore(%run_scoped3A : memref<!tpu.dma_semaphore, #tpu.memory_space<semaphore_mem>>)
      %dma_wait3A = tpu.memref_slice %arg6[%mul3A_38] : memref<16xf32, #tpu.memory_space<hbm>> -> memref<16xf32, #tpu.memory_space<hbm>>
      %dma_wait3A_46 = tpu.memref_slice %arg6[%mul3A_38] : memref<16xf32, #tpu.memory_space<hbm>> -> memref<16xf32, #tpu.memory_space<hbm>>
      tpu.wait_dma2 semaphore(%run_scoped3A : memref<!tpu.dma_semaphore, #tpu.memory_space<semaphore_mem>>) src(%dma_wait3A_46 : memref<16xf32, #tpu.memory_space<hbm>>) dst(%arg12 : memref<16xf32, #tpu.memory_space<vmem>>)
      tpu.yield
    }) : () -> ()
    %get3A = arith.constant 0 : index
    %get3A_39 = tpu.vector_load %arg12[%get3A] {strides = array<i32>} : memref<16xf32, #tpu.memory_space<vmem>>, vector<16xf32>,
    %parallel_loop3A = arith.constant 0 : i32
    %parallel_loop3A_40 = arith.constant 16 : i32
    %parallel_loop3A_41 = arith.constant 1 : i32
    scf.for %parallel_loop3A_45 = %parallel_loop3A to %parallel_loop3A_40 step %parallel_loop3A_41  : i32 {
      %parallel_loop3A_46 = arith.index_cast %parallel_loop3A_45 : i32 to index
      %parallel_loop3A_47 = arith.constant 0 : index
      %parallel_loop3A_48 = tpu.vector_load %arg13[%parallel_loop3A_46, %parallel_loop3A_47] {strides = array<i32>} : memref<16x512xf32, #tpu.memory_space<vmem>>, vector<16xf32>,
      tpu.vector_store %arg13[%parallel_loop3A_46, %parallel_loop3A_47], %get3A_39 {strides = array<i32>} : memref<16x512xf32, #tpu.memory_space<vmem>>, vector<16xf32>,
      %parallel_loop3A_49 = arith.index_cast %parallel_loop3A_45 : i32 to index
      %parallel_loop3A_50 = arith.constant 16 : index
      %parallel_loop3A_51 = tpu.vector_load %arg13[%parallel_loop3A_49, %parallel_loop3A_50] {strides = array<i32>} : memref<16x512xf32, #tpu.memory_space<vmem>>, vector<16xf32>,
      tpu.vector_store %arg13[%parallel_loop3A_49, %parallel_loop3A_50], %get3A_39 {strides = array<i32>} : memref<16x512xf32, #tpu.memory_space<vmem>>, vector<16xf32>,
      %parallel_loop3A_52 = arith.index_cast %parallel_loop3A_45 : i32 to index
      %parallel_loop3A_53 = arith.constant 32 : index
      %parallel_loop3A_54 = tpu.vector_load %arg13[%parallel_loop3A_52, %parallel_loop3A_53] {strides = array<i32>} : memref<16x512xf32, #tpu.memory_space<vmem>>, vector<16xf32>,
      tpu.vector_store %arg13[%parallel_loop3A_52, %parallel_loop3A_53], %get3A_39 {strides = array<i32>} : memref<16x512xf32, #tpu.memory_space<vmem>>, vector<16xf32>,
      %parallel_loop3A_55 = arith.index_cast %parallel_loop3A_45 : i32 to index
      %parallel_loop3A_56 = arith.constant 48 : index
      %parallel_loop3A_57 = tpu.vector_load %arg13[%parallel_loop3A_55, %parallel_loop3A_56] {strides = array<i32>} : memref<16x512xf32, #tpu.memory_space<vmem>>, vector<16xf32>,
      tpu.vector_store %arg13[%parallel_loop3A_55, %parallel_loop3A_56], %get3A_39 {strides = array<i32>} : memref<16x512xf32, #tpu.memory_space<vmem>>, vector<16xf32>,
      %parallel_loop3A_58 = arith.index_cast %parallel_loop3A_45 : i32 to index
      %parallel_loop3A_59 = arith.constant 64 : index
      %parallel_loop3A_60 = tpu.vector_load %arg13[%parallel_loop3A_58, %parallel_loop3A_59] {strides = array<i32>} : memref<16x512xf32, #tpu.memory_space<vmem>>, vector<16xf32>,
      tpu.vector_store %arg13[%parallel_loop3A_58, %parallel_loop3A_59], %get3A_39 {strides = array<i32>} : memref<16x512xf32, #tpu.memory_space<vmem>>, vector<16xf32>,
      %parallel_loop3A_61 = arith.index_cast %parallel_loop3A_45 : i32 to index
      %parallel_loop3A_62 = arith.constant 80 : index
      %parallel_loop3A_63 = tpu.vector_load %arg13[%parallel_loop3A_61, %parallel_loop3A_62] {strides = array<i32>} : memref<16x512xf32, #tpu.memory_space<vmem>>, vector<16xf32>,
      tpu.vector_store %arg13[%parallel_loop3A_61, %parallel_loop3A_62], %get3A_39 {strides = array<i32>} : memref<16x512xf32, #tpu.memory_space<vmem>>, vector<16xf32>,
      %parallel_loop3A_64 = arith.index_cast %parallel_loop3A_45 : i32 to index
      %parallel_loop3A_65 = arith.constant 96 : index
      %parallel_loop3A_66 = tpu.vector_load %arg13[%parallel_loop3A_64, %parallel_loop3A_65] {strides = array<i32>} : memref<16x512xf32, #tpu.memory_space<vmem>>, vector<16xf32>,
      tpu.vector_store %arg13[%parallel_loop3A_64, %parallel_loop3A_65], %get3A_39 {strides = array<i32>} : memref<16x512xf32, #tpu.memory_space<vmem>>, vector<16xf32>,
      %parallel_loop3A_67 = arith.index_cast %parallel_loop3A_45 : i32 to index
      %parallel_loop3A_68 = arith.constant 112 : index
      %parallel_loop3A_69 = tpu.vector_load %arg13[%parallel_loop3A_67, %parallel_loop3A_68] {strides = array<i32>} : memref<16x512xf32, #tpu.memory_space<vmem>>, vector<16xf32>,
      tpu.vector_store %arg13[%parallel_loop3A_67, %parallel_loop3A_68], %get3A_39 {strides = array<i32>} : memref<16x512xf32, #tpu.memory_space<vmem>>, vector<16xf32>,
      %parallel_loop3A_70 = arith.index_cast %parallel_loop3A_45 : i32 to index
      %parallel_loop3A_71 = arith.constant 128 : index
      %parallel_loop3A_72 = tpu.vector_load %arg13[%parallel_loop3A_70, %parallel_loop3A_71] {strides = array<i32>} : memref<16x512xf32, #tpu.memory_space<vmem>>, vector<16xf32>,
      tpu.vector_store %arg13[%parallel_loop3A_70, %parallel_loop3A_71], %get3A_39 {strides = array<i32>} : memref<16x512xf32, #tpu.memory_space<vmem>>, vector<16xf32>,
      %parallel_loop3A_73 = arith.index_cast %parallel_loop3A_45 : i32 to index
      %parallel_loop3A_74 = arith.constant 144 : index
      %parallel_loop3A_75 = tpu.vector_load %arg13[%parallel_loop3A_73, %parallel_loop3A_74] {strides = array<i32>} : memref<16x512xf32, #tpu.memory_space<vmem>>, vector<16xf32>,
      tpu.vector_store %arg13[%parallel_loop3A_73, %parallel_loop3A_74], %get3A_39 {strides = array<i32>} : memref<16x512xf32, #tpu.memory_space<vmem>>, vector<16xf32>,
      %parallel_loop3A_76 = arith.index_cast %parallel_loop3A_45 : i32 to index
      %parallel_loop3A_77 = arith.constant 160 : index
      %parallel_loop3A_78 = tpu.vector_load %arg13[%parallel_loop3A_76, %parallel_loop3A_77] {strides = array<i32>} : memref<16x512xf32, #tpu.memory_space<vmem>>, vector<16xf32>,
      tpu.vector_store %arg13[%parallel_loop3A_76, %parallel_loop3A_77], %get3A_39 {strides = array<i32>} : memref<16x512xf32, #tpu.memory_space<vmem>>, vector<16xf32>,
      %parallel_loop3A_79 = arith.index_cast %parallel_loop3A_45 : i32 to index
      %parallel_loop3A_80 = arith.constant 176 : index
      %parallel_loop3A_81 = tpu.vector_load %arg13[%parallel_loop3A_79, %parallel_loop3A_80] {strides = array<i32>} : memref<16x512xf32, #tpu.memory_space<vmem>>, vector<16xf32>,
      tpu.vector_store %arg13[%parallel_loop3A_79, %parallel_loop3A_80], %get3A_39 {strides = array<i32>} : memref<16x512xf32, #tpu.memory_space<vmem>>, vector<16xf32>,
      %parallel_loop3A_82 = arith.index_cast %parallel_loop3A_45 : i32 to index
      %parallel_loop3A_83 = arith.constant 192 : index
      %parallel_loop3A_84 = tpu.vector_load %arg13[%parallel_loop3A_82, %parallel_loop3A_83] {strides = array<i32>} : memref<16x512xf32, #tpu.memory_space<vmem>>, vector<16xf32>,
      tpu.vector_store %arg13[%parallel_loop3A_82, %parallel_loop3A_83], %get3A_39 {strides = array<i32>} : memref<16x512xf32, #tpu.memory_space<vmem>>, vector<16xf32>,
      %parallel_loop3A_85 = arith.index_cast %parallel_loop3A_45 : i32 to index
      %parallel_loop3A_86 = arith.constant 208 : index
      %parallel_loop3A_87 = tpu.vector_load %arg13[%parallel_loop3A_85, %parallel_loop3A_86] {strides = array<i32>} : memref<16x512xf32, #tpu.memory_space<vmem>>, vector<16xf32>,
      tpu.vector_store %arg13[%parallel_loop3A_85, %parallel_loop3A_86], %get3A_39 {strides = array<i32>} : memref<16x512xf32, #tpu.memory_space<vmem>>, vector<16xf32>,
      %parallel_loop3A_88 = arith.index_cast %parallel_loop3A_45 : i32 to index
      %parallel_loop3A_89 = arith.constant 224 : index
      %parallel_loop3A_90 = tpu.vector_load %arg13[%parallel_loop3A_88, %parallel_loop3A_89] {strides = array<i32>} : memref<16x512xf32, #tpu.memory_space<vmem>>, vector<16xf32>,
      tpu.vector_store %arg13[%parallel_loop3A_88, %parallel_loop3A_89], %get3A_39 {strides = array<i32>} : memref<16x512xf32, #tpu.memory_space<vmem>>, vector<16xf32>,
      %parallel_loop3A_91 = arith.index_cast %parallel_loop3A_45 : i32 to index
      %parallel_loop3A_92 = arith.constant 240 : index
      %parallel_loop3A_93 = tpu.vector_load %arg13[%parallel_loop3A_91, %parallel_loop3A_92] {strides = array<i32>} : memref<16x512xf32, #tpu.memory_space<vmem>>, vector<16xf32>,
      tpu.vector_store %arg13[%parallel_loop3A_91, %parallel_loop3A_92], %get3A_39 {strides = array<i32>} : memref<16x512xf32, #tpu.memory_space<vmem>>, vector<16xf32>,
      %parallel_loop3A_94 = arith.index_cast %parallel_loop3A_45 : i32 to index
      %parallel_loop3A_95 = arith.constant 256 : index
      %parallel_loop3A_96 = tpu.vector_load %arg13[%parallel_loop3A_94, %parallel_loop3A_95] {strides = array<i32>} : memref<16x512xf32, #tpu.memory_space<vmem>>, vector<16xf32>,
      tpu.vector_store %arg13[%parallel_loop3A_94, %parallel_loop3A_95], %get3A_39 {strides = array<i32>} : memref<16x512xf32, #tpu.memory_space<vmem>>, vector<16xf32>,
      %parallel_loop3A_97 = arith.index_cast %parallel_loop3A_45 : i32 to index
      %parallel_loop3A_98 = arith.constant 272 : index
      %parallel_loop3A_99 = tpu.vector_load %arg13[%parallel_loop3A_97, %parallel_loop3A_98] {strides = array<i32>} : memref<16x512xf32, #tpu.memory_space<vmem>>, vector<16xf32>,
      tpu.vector_store %arg13[%parallel_loop3A_97, %parallel_loop3A_98], %get3A_39 {strides = array<i32>} : memref<16x512xf32, #tpu.memory_space<vmem>>, vector<16xf32>,
      %parallel_loop3A_100 = arith.index_cast %parallel_loop3A_45 : i32 to index
      %parallel_loop3A_101 = arith.constant 288 : index
      %parallel_loop3A_102 = tpu.vector_load %arg13[%parallel_loop3A_100, %parallel_loop3A_101] {strides = array<i32>} : memref<16x512xf32, #tpu.memory_space<vmem>>, vector<16xf32>,
      tpu.vector_store %arg13[%parallel_loop3A_100, %parallel_loop3A_101], %get3A_39 {strides = array<i32>} : memref<16x512xf32, #tpu.memory_space<vmem>>, vector<16xf32>,
      %parallel_loop3A_103 = arith.index_cast %parallel_loop3A_45 : i32 to index
      %parallel_loop3A_104 = arith.constant 304 : index
      %parallel_loop3A_105 = tpu.vector_load %arg13[%parallel_loop3A_103, %parallel_loop3A_104] {strides = array<i32>} : memref<16x512xf32, #tpu.memory_space<vmem>>, vector<16xf32>,
      tpu.vector_store %arg13[%parallel_loop3A_103, %parallel_loop3A_104], %get3A_39 {strides = array<i32>} : memref<16x512xf32, #tpu.memory_space<vmem>>, vector<16xf32>,
      %parallel_loop3A_106 = arith.index_cast %parallel_loop3A_45 : i32 to index
      %parallel_loop3A_107 = arith.constant 320 : index
      %parallel_loop3A_108 = tpu.vector_load %arg13[%parallel_loop3A_106, %parallel_loop3A_107] {strides = array<i32>} : memref<16x512xf32, #tpu.memory_space<vmem>>, vector<16xf32>,
      tpu.vector_store %arg13[%parallel_loop3A_106, %parallel_loop3A_107], %get3A_39 {strides = array<i32>} : memref<16x512xf32, #tpu.memory_space<vmem>>, vector<16xf32>,
      %parallel_loop3A_109 = arith.index_cast %parallel_loop3A_45 : i32 to index
      %parallel_loop3A_110 = arith.constant 336 : index
      %parallel_loop3A_111 = tpu.vector_load %arg13[%parallel_loop3A_109, %parallel_loop3A_110] {strides = array<i32>} : memref<16x512xf32, #tpu.memory_space<vmem>>, vector<16xf32>,
      tpu.vector_store %arg13[%parallel_loop3A_109, %parallel_loop3A_110], %get3A_39 {strides = array<i32>} : memref<16x512xf32, #tpu.memory_space<vmem>>, vector<16xf32>,
      %parallel_loop3A_112 = arith.index_cast %parallel_loop3A_45 : i32 to index
      %parallel_loop3A_113 = arith.constant 352 : index
      %parallel_loop3A_114 = tpu.vector_load %arg13[%parallel_loop3A_112, %parallel_loop3A_113] {strides = array<i32>} : memref<16x512xf32, #tpu.memory_space<vmem>>, vector<16xf32>,
      tpu.vector_store %arg13[%parallel_loop3A_112, %parallel_loop3A_113], %get3A_39 {strides = array<i32>} : memref<16x512xf32, #tpu.memory_space<vmem>>, vector<16xf32>,
      %parallel_loop3A_115 = arith.index_cast %parallel_loop3A_45 : i32 to index
      %parallel_loop3A_116 = arith.constant 368 : index
      %parallel_loop3A_117 = tpu.vector_load %arg13[%parallel_loop3A_115, %parallel_loop3A_116] {strides = array<i32>} : memref<16x512xf32, #tpu.memory_space<vmem>>, vector<16xf32>,
      tpu.vector_store %arg13[%parallel_loop3A_115, %parallel_loop3A_116], %get3A_39 {strides = array<i32>} : memref<16x512xf32, #tpu.memory_space<vmem>>, vector<16xf32>,
      %parallel_loop3A_118 = arith.index_cast %parallel_loop3A_45 : i32 to index
      %parallel_loop3A_119 = arith.constant 384 : index
      %parallel_loop3A_120 = tpu.vector_load %arg13[%parallel_loop3A_118, %parallel_loop3A_119] {strides = array<i32>} : memref<16x512xf32, #tpu.memory_space<vmem>>, vector<16xf32>,
      tpu.vector_store %arg13[%parallel_loop3A_118, %parallel_loop3A_119], %get3A_39 {strides = array<i32>} : memref<16x512xf32, #tpu.memory_space<vmem>>, vector<16xf32>,
      %parallel_loop3A_121 = arith.index_cast %parallel_loop3A_45 : i32 to index
      %parallel_loop3A_122 = arith.constant 400 : index
      %parallel_loop3A_123 = tpu.vector_load %arg13[%parallel_loop3A_121, %parallel_loop3A_122] {strides = array<i32>} : memref<16x512xf32, #tpu.memory_space<vmem>>, vector<16xf32>,
      tpu.vector_store %arg13[%parallel_loop3A_121, %parallel_loop3A_122], %get3A_39 {strides = array<i32>} : memref<16x512xf32, #tpu.memory_space<vmem>>, vector<16xf32>,
      %parallel_loop3A_124 = arith.index_cast %parallel_loop3A_45 : i32 to index
      %parallel_loop3A_125 = arith.constant 416 : index
      %parallel_loop3A_126 = tpu.vector_load %arg13[%parallel_loop3A_124, %parallel_loop3A_125] {strides = array<i32>} : memref<16x512xf32, #tpu.memory_space<vmem>>, vector<16xf32>,
      tpu.vector_store %arg13[%parallel_loop3A_124, %parallel_loop3A_125], %get3A_39 {strides = array<i32>} : memref<16x512xf32, #tpu.memory_space<vmem>>, vector<16xf32>,
      %parallel_loop3A_127 = arith.index_cast %parallel_loop3A_45 : i32 to index
      %parallel_loop3A_128 = arith.constant 432 : index
      %parallel_loop3A_129 = tpu.vector_load %arg13[%parallel_loop3A_127, %parallel_loop3A_128] {strides = array<i32>} : memref<16x512xf32, #tpu.memory_space<vmem>>, vector<16xf32>,
      tpu.vector_store %arg13[%parallel_loop3A_127, %parallel_loop3A_128], %get3A_39 {strides = array<i32>} : memref<16x512xf32, #tpu.memory_space<vmem>>, vector<16xf32>,
      %parallel_loop3A_130 = arith.index_cast %parallel_loop3A_45 : i32 to index
      %parallel_loop3A_131 = arith.constant 448 : index
      %parallel_loop3A_132 = tpu.vector_load %arg13[%parallel_loop3A_130, %parallel_loop3A_131] {strides = array<i32>} : memref<16x512xf32, #tpu.memory_space<vmem>>, vector<16xf32>,
      tpu.vector_store %arg13[%parallel_loop3A_130, %parallel_loop3A_131], %get3A_39 {strides = array<i32>} : memref<16x512xf32, #tpu.memory_space<vmem>>, vector<16xf32>,
      %parallel_loop3A_133 = arith.index_cast %parallel_loop3A_45 : i32 to index
      %parallel_loop3A_134 = arith.constant 464 : index
      %parallel_loop3A_135 = tpu.vector_load %arg13[%parallel_loop3A_133, %parallel_loop3A_134] {strides = array<i32>} : memref<16x512xf32, #tpu.memory_space<vmem>>, vector<16xf32>,
      tpu.vector_store %arg13[%parallel_loop3A_133, %parallel_loop3A_134], %get3A_39 {strides = array<i32>} : memref<16x512xf32, #tpu.memory_space<vmem>>, vector<16xf32>,
      %parallel_loop3A_136 = arith.index_cast %parallel_loop3A_45 : i32 to index
      %parallel_loop3A_137 = arith.constant 480 : index
      %parallel_loop3A_138 = tpu.vector_load %arg13[%parallel_loop3A_136, %parallel_loop3A_137] {strides = array<i32>} : memref<16x512xf32, #tpu.memory_space<vmem>>, vector<16xf32>,
      tpu.vector_store %arg13[%parallel_loop3A_136, %parallel_loop3A_137], %get3A_39 {strides = array<i32>} : memref<16x512xf32, #tpu.memory_space<vmem>>, vector<16xf32>,
      %parallel_loop3A_139 = arith.index_cast %parallel_loop3A_45 : i32 to index
      %parallel_loop3A_140 = arith.constant 496 : index
      %parallel_loop3A_141 = tpu.vector_load %arg13[%parallel_loop3A_139, %parallel_loop3A_140] {strides = array<i32>} : memref<16x512xf32, #tpu.memory_space<vmem>>, vector<16xf32>,
      tpu.vector_store %arg13[%parallel_loop3A_139, %parallel_loop3A_140], %get3A_39 {strides = array<i32>} : memref<16x512xf32, #tpu.memory_space<vmem>>, vector<16xf32>,
    } {sc.loop_unroll_factor = 2 : i64, sc.parallel_access}
    %parallel_loop3A_42 = arith.constant 0 : i32
    %parallel_loop3A_43 = arith.constant 512 : i32
    %parallel_loop3A_44 = arith.constant 1 : i32
    scf.for %parallel_loop3A_45 = %parallel_loop3A_42 to %parallel_loop3A_43 step %parallel_loop3A_44  : i32 {
      %parallel_loop3A_46 = arith.constant 16 : i32
      %parallel_loop3A_47 = arith.muli %parallel_loop3A_45, %parallel_loop3A_46 : i32
      %parallel_loop3A_48 = arith.index_cast %parallel_loop3A_47 : i32 to index
      %parallel_loop3A_49 = tpu.vector_load %arg8[%parallel_loop3A_48] {strides = array<i32>} : memref<8192xi32, #tpu.memory_space<vmem>>, vector<16xi32>,
      %parallel_loop3A_50 = arith.constant 16 : i32
      %parallel_loop3A_51 = arith.muli %parallel_loop3A_45, %parallel_loop3A_50 : i32
      %parallel_loop3A_52 = arith.index_cast %parallel_loop3A_51 : i32 to index
      %parallel_loop3A_53 = tpu.vector_load %arg9[%parallel_loop3A_52] {strides = array<i32>} : memref<8192xi32, #tpu.memory_space<vmem>>, vector<16xi32>,
      %parallel_loop3A_54 = vector.broadcast %mul3A_32 : i32 to vector<16xi32>
      %parallel_loop3A_55 = arith.subi %parallel_loop3A_49, %parallel_loop3A_54 : vector<16xi32>
      %parallel_loop3A_56 = arith.constant 0 : i32
      %parallel_loop3A_57 = vector.broadcast %parallel_loop3A_56 : i32 to vector<16xi32>
      %parallel_loop3A_58 = arith.cmpi sge, %parallel_loop3A_55, %parallel_loop3A_57 : vector<16xi32>
      %parallel_loop3A_59 = arith.constant 16 : i32
      %parallel_loop3A_60 = vector.broadcast %parallel_loop3A_59 : i32 to vector<16xi32>
      %parallel_loop3A_61 = arith.cmpi slt, %parallel_loop3A_55, %parallel_loop3A_60 : vector<16xi32>
      %parallel_loop3A_62 = arith.andi %parallel_loop3A_58, %parallel_loop3A_61 : vector<16xi1>
      %parallel_loop3A_63 = arith.constant 0 : i32
      %parallel_loop3A_64 = vector.broadcast %parallel_loop3A_63 : i32 to vector<16xi32>
      %parallel_loop3A_65 = arith.select %parallel_loop3A_62, %parallel_loop3A_55, %parallel_loop3A_64 : vector<16xi1>, vector<16xi32>
      %parallel_loop3A_66 = tpu.vector_load_idx %arg10[%parallel_loop3A_49] : memref<512xf32, #tpu.memory_space<vmem>>[vector<16xi32>], vector<16xf32>,
      %parallel_loop3A_67 = tpu.vector_load_idx %arg11[%parallel_loop3A_53] : memref<512xf32, #tpu.memory_space<vmem>>[vector<16xi32>], vector<16xf32>,
      %parallel_loop3A_68 = arith.addf %parallel_loop3A_66, %parallel_loop3A_67 : vector<16xf32>
      %parallel_loop3A_69 = arith.constant 0.000000e+00 : f32
      %parallel_loop3A_70 = vector.broadcast %parallel_loop3A_69 : f32 to vector<16xf32>
      %parallel_loop3A_71 = arith.cmpf oge, %parallel_loop3A_68, %parallel_loop3A_70 : vector<16xf32>
      %parallel_loop3A_72 = arith.constant 2.000000e-01 : f32
      %parallel_loop3A_73 = vector.broadcast %parallel_loop3A_72 : f32 to vector<16xf32>
      %parallel_loop3A_74 = arith.mulf %parallel_loop3A_73, %parallel_loop3A_68 : vector<16xf32>
      %parallel_loop3A_75 = arith.select %parallel_loop3A_71, %parallel_loop3A_68, %parallel_loop3A_74 : vector<16xi1>, vector<16xf32>
      tpu.vector_store_idx %arg13[%parallel_loop3A_65, %parallel_loop3A_53], %parallel_loop3A_75 masked %parallel_loop3A_62 : memref<16x512xf32, #tpu.memory_space<vmem>>[vector<16xi32>, vector<16xi32>], vector<16xf32>, vector<16xi1>
    } {sc.loop_unroll_factor = 4 : i64, sc.parallel_access}
    "tpu.region"() ({
      %run_scoped3A = tpu.sem_alloc : memref<!tpu.dma_semaphore, #tpu.memory_space<semaphore_mem>>
      %dma_start3A = arith.constant 0 : i32
      %dma_start3A_45 = tpu.memref_slice %arg7[%select_n3A, %mul3A_32, %dma_start3A] : memref<1x512x512xf32, #tpu.memory_space<hbm>> -> memref<1x16x512xf32, #tpu.memory_space<hbm>>
      %dma_start3A_46 = tpu.memref_squeeze %dma_start3A_45 : memref<1x16x512xf32, #tpu.memory_space<hbm>> -> memref<16x512xf32, #tpu.memory_space<hbm>>
      %dma_start3A_47 = arith.constant 0 : i32
      %dma_start3A_48 = tpu.memref_slice %arg7[%select_n3A, %mul3A_32, %dma_start3A_47] : memref<1x512x512xf32, #tpu.memory_space<hbm>> -> memref<1x16x512xf32, #tpu.memory_space<hbm>>
      %dma_start3A_49 = tpu.memref_squeeze %dma_start3A_48 : memref<1x16x512xf32, #tpu.memory_space<hbm>> -> memref<16x512xf32, #tpu.memory_space<hbm>>
      tpu.enqueue_dma source(%arg13 : memref<16x512xf32, #tpu.memory_space<vmem>>) target(%dma_start3A_49 : memref<16x512xf32, #tpu.memory_space<hbm>>) target_semaphore(%run_scoped3A : memref<!tpu.dma_semaphore, #tpu.memory_space<semaphore_mem>>)
      %dma_wait3A = arith.constant 0 : i32
      %dma_wait3A_50 = tpu.memref_slice %arg7[%select_n3A, %mul3A_32, %dma_wait3A] : memref<1x512x512xf32, #tpu.memory_space<hbm>> -> memref<1x16x512xf32, #tpu.memory_space<hbm>>
      %dma_wait3A_51 = tpu.memref_squeeze %dma_wait3A_50 : memref<1x16x512xf32, #tpu.memory_space<hbm>> -> memref<16x512xf32, #tpu.memory_space<hbm>>
      %dma_wait3A_52 = arith.constant 0 : i32
      %dma_wait3A_53 = tpu.memref_slice %arg7[%select_n3A, %mul3A_32, %dma_wait3A_52] : memref<1x512x512xf32, #tpu.memory_space<hbm>> -> memref<1x16x512xf32, #tpu.memory_space<hbm>>
      %dma_wait3A_54 = tpu.memref_squeeze %dma_wait3A_53 : memref<1x16x512xf32, #tpu.memory_space<hbm>> -> memref<16x512xf32, #tpu.memory_space<hbm>>
      tpu.wait_dma2 semaphore(%run_scoped3A : memref<!tpu.dma_semaphore, #tpu.memory_space<semaphore_mem>>) src(%arg13 : memref<16x512xf32, #tpu.memory_space<vmem>>) dst(%dma_wait3A_54 : memref<16x512xf32, #tpu.memory_space<hbm>>)
      tpu.yield
    }) : () -> ()
    return
  }
}

#map = affine_map<(d0, d1) -> (0)>
#map1 = affine_map<(d0, d1) -> (0, 0, 0)>
module attributes {stable_mosaic.version = 14 : i64} {
  func.func @edge_scatter(%arg0: i32, %arg1: i32, %arg2: memref<2048xf32, #tpu.memory_space<hbm>>, %arg3: memref<2048xf32, #tpu.memory_space<hbm>>, %arg4: memref<8192xi32, #tpu.memory_space<hbm>>, %arg5: memref<8192xi32, #tpu.memory_space<hbm>>, %arg6: memref<64xf32, #tpu.memory_space<hbm>>, %arg7: memref<4x512x512xf32, #tpu.memory_space<hbm>>, %arg8: memref<8192xi32, #tpu.memory_space<vmem>>, %arg9: memref<8192xi32, #tpu.memory_space<vmem>>, %arg10: memref<512xf32, #tpu.memory_space<vmem>>, %arg11: memref<512xf32, #tpu.memory_space<vmem>>, %arg12: memref<16xf32, #tpu.memory_space<vmem>>, %arg13: memref<64x512xf32, #tpu.memory_space<vmem>>) attributes {dimension_semantics = [#tpu.dimension_semantics<core_parallel>, #tpu.dimension_semantics<subcore_parallel>], iteration_bounds = array<i64: 2, 16>, scalar_prefetch = 0 : i64, scratch_operands = 6 : i64, tpu.core_type = #tpu.core_type<sc_vector_subcore>, window_params = [{transform_indices = #map}, {transform_indices = #map}, {transform_indices = #map}, {transform_indices = #map}, {transform_indices = #map}, {transform_indices = #map1}]} {
    %mul3A = arith.constant 2 : i32
    %mul3A_0 = arith.muli %arg1, %mul3A : i32
    %add3A = arith.addi %mul3A_0, %arg0 : i32
    %jit3A = arith.constant 8 : i32
    %div3A = arith.divsi %add3A, %jit3A : i32
    %sign3A = arith.constant 0 : i32
    %sign3A_1 = arith.cmpi sgt, %add3A, %sign3A : i32
    %sign3A_2 = arith.extui %sign3A_1 : i1 to i32
    %sign3A_3 = arith.constant 0 : i32
    %sign3A_4 = arith.cmpi slt, %add3A, %sign3A_3 : i32
    %sign3A_5 = arith.extui %sign3A_4 : i1 to i32
    %sign3A_6 = arith.subi %sign3A_2, %sign3A_5 : i32
    %sign3A_7 = arith.constant 0 : i32
    %sign3A_8 = arith.cmpi sgt, %jit3A, %sign3A_7 : i32
    %sign3A_9 = arith.extui %sign3A_8 : i1 to i32
    %sign3A_10 = arith.constant 0 : i32
    %sign3A_11 = arith.cmpi slt, %jit3A, %sign3A_10 : i32
    %sign3A_12 = arith.extui %sign3A_11 : i1 to i32
    %sign3A_13 = arith.subi %sign3A_9, %sign3A_12 : i32
    %ne3A = arith.cmpi ne, %sign3A_6, %sign3A_13 : i32
    %rem3A = arith.remsi %add3A, %jit3A : i32
    %ne3A_14 = arith.constant 0 : i32
    %ne3A_15 = arith.cmpi ne, %rem3A, %ne3A_14 : i32
    %and3A = arith.andi %ne3A, %ne3A_15 : i1
    %sub3A = arith.constant 1 : i32
    %sub3A_16 = arith.subi %div3A, %sub3A : i32
    %select_n3A = arith.select %and3A, %sub3A_16, %div3A : i32
    %jit3A_17 = arith.constant 8 : i32
    %eq3A = arith.constant 0 : i32
    %eq3A_18 = arith.cmpi eq, %jit3A_17, %eq3A : i32
    %jit3A_19 = arith.constant 1 : i32
    %select_n3A_20 = arith.select %eq3A_18, %jit3A_19, %jit3A_17 : i32
    %rem3A_21 = arith.remsi %add3A, %select_n3A_20 : i32
    %ne3A_22 = arith.constant 0 : i32
    %ne3A_23 = arith.cmpi ne, %rem3A_21, %ne3A_22 : i32
    %lt3A = arith.constant 0 : i32
    %lt3A_24 = arith.cmpi slt, %rem3A_21, %lt3A : i32
    %lt3A_25 = arith.constant 0 : i32
    %lt3A_26 = arith.cmpi slt, %select_n3A_20, %lt3A_25 : i32
    %ne3A_27 = arith.xori %lt3A_24, %lt3A_26 : i1
    %and3A_28 = arith.andi %ne3A_27, %ne3A_23 : i1
    %add3A_29 = arith.addi %rem3A_21, %select_n3A_20 : i32
    %select_n3A_30 = arith.select %and3A_28, %add3A_29, %rem3A_21 : i32
    %mul3A_31 = arith.constant 64 : i32
    %mul3A_32 = arith.muli %select_n3A_30, %mul3A_31 : i32
    "tpu.region"() ({
      %run_scoped3A = tpu.sem_alloc : memref<!tpu.dma_semaphore, #tpu.memory_space<semaphore_mem>>
      tpu.enqueue_dma source(%arg4 : memref<8192xi32, #tpu.memory_space<hbm>>) target(%arg8 : memref<8192xi32, #tpu.memory_space<vmem>>) target_semaphore(%run_scoped3A : memref<!tpu.dma_semaphore, #tpu.memory_space<semaphore_mem>>)
      tpu.wait_dma2 semaphore(%run_scoped3A : memref<!tpu.dma_semaphore, #tpu.memory_space<semaphore_mem>>) src(%arg4 : memref<8192xi32, #tpu.memory_space<hbm>>) dst(%arg8 : memref<8192xi32, #tpu.memory_space<vmem>>)
      tpu.yield
    }) : () -> ()
    "tpu.region"() ({
      %run_scoped3A = tpu.sem_alloc : memref<!tpu.dma_semaphore, #tpu.memory_space<semaphore_mem>>
      tpu.enqueue_dma source(%arg5 : memref<8192xi32, #tpu.memory_space<hbm>>) target(%arg9 : memref<8192xi32, #tpu.memory_space<vmem>>) target_semaphore(%run_scoped3A : memref<!tpu.dma_semaphore, #tpu.memory_space<semaphore_mem>>)
      tpu.wait_dma2 semaphore(%run_scoped3A : memref<!tpu.dma_semaphore, #tpu.memory_space<semaphore_mem>>) src(%arg5 : memref<8192xi32, #tpu.memory_space<hbm>>) dst(%arg9 : memref<8192xi32, #tpu.memory_space<vmem>>)
      tpu.yield
    }) : () -> ()
    %mul3A_33 = arith.constant 512 : i32
    %mul3A_34 = arith.muli %select_n3A, %mul3A_33 : i32
    "tpu.region"() ({
      %run_scoped3A = tpu.sem_alloc : memref<!tpu.dma_semaphore, #tpu.memory_space<semaphore_mem>>
      %dma_start3A = tpu.memref_slice %arg2[%mul3A_34] : memref<2048xf32, #tpu.memory_space<hbm>> -> memref<512xf32, #tpu.memory_space<hbm>>
      %dma_start3A_45 = tpu.memref_slice %arg2[%mul3A_34] : memref<2048xf32, #tpu.memory_space<hbm>> -> memref<512xf32, #tpu.memory_space<hbm>>
      tpu.enqueue_dma source(%dma_start3A_45 : memref<512xf32, #tpu.memory_space<hbm>>) target(%arg10 : memref<512xf32, #tpu.memory_space<vmem>>) target_semaphore(%run_scoped3A : memref<!tpu.dma_semaphore, #tpu.memory_space<semaphore_mem>>)
      %dma_wait3A = tpu.memref_slice %arg2[%mul3A_34] : memref<2048xf32, #tpu.memory_space<hbm>> -> memref<512xf32, #tpu.memory_space<hbm>>
      %dma_wait3A_46 = tpu.memref_slice %arg2[%mul3A_34] : memref<2048xf32, #tpu.memory_space<hbm>> -> memref<512xf32, #tpu.memory_space<hbm>>
      tpu.wait_dma2 semaphore(%run_scoped3A : memref<!tpu.dma_semaphore, #tpu.memory_space<semaphore_mem>>) src(%dma_wait3A_46 : memref<512xf32, #tpu.memory_space<hbm>>) dst(%arg10 : memref<512xf32, #tpu.memory_space<vmem>>)
      tpu.yield
    }) : () -> ()
    %mul3A_35 = arith.constant 512 : i32
    %mul3A_36 = arith.muli %select_n3A, %mul3A_35 : i32
    "tpu.region"() ({
      %run_scoped3A = tpu.sem_alloc : memref<!tpu.dma_semaphore, #tpu.memory_space<semaphore_mem>>
      %dma_start3A = tpu.memref_slice %arg3[%mul3A_36] : memref<2048xf32, #tpu.memory_space<hbm>> -> memref<512xf32, #tpu.memory_space<hbm>>
      %dma_start3A_45 = tpu.memref_slice %arg3[%mul3A_36] : memref<2048xf32, #tpu.memory_space<hbm>> -> memref<512xf32, #tpu.memory_space<hbm>>
      tpu.enqueue_dma source(%dma_start3A_45 : memref<512xf32, #tpu.memory_space<hbm>>) target(%arg11 : memref<512xf32, #tpu.memory_space<vmem>>) target_semaphore(%run_scoped3A : memref<!tpu.dma_semaphore, #tpu.memory_space<semaphore_mem>>)
      %dma_wait3A = tpu.memref_slice %arg3[%mul3A_36] : memref<2048xf32, #tpu.memory_space<hbm>> -> memref<512xf32, #tpu.memory_space<hbm>>
      %dma_wait3A_46 = tpu.memref_slice %arg3[%mul3A_36] : memref<2048xf32, #tpu.memory_space<hbm>> -> memref<512xf32, #tpu.memory_space<hbm>>
      tpu.wait_dma2 semaphore(%run_scoped3A : memref<!tpu.dma_semaphore, #tpu.memory_space<semaphore_mem>>) src(%dma_wait3A_46 : memref<512xf32, #tpu.memory_space<hbm>>) dst(%arg11 : memref<512xf32, #tpu.memory_space<vmem>>)
      tpu.yield
    }) : () -> ()
    %mul3A_37 = arith.constant 16 : i32
    %mul3A_38 = arith.muli %select_n3A, %mul3A_37 : i32
    "tpu.region"() ({
      %run_scoped3A = tpu.sem_alloc : memref<!tpu.dma_semaphore, #tpu.memory_space<semaphore_mem>>
      %dma_start3A = tpu.memref_slice %arg6[%mul3A_38] : memref<64xf32, #tpu.memory_space<hbm>> -> memref<16xf32, #tpu.memory_space<hbm>>
      %dma_start3A_45 = tpu.memref_slice %arg6[%mul3A_38] : memref<64xf32, #tpu.memory_space<hbm>> -> memref<16xf32, #tpu.memory_space<hbm>>
      tpu.enqueue_dma source(%dma_start3A_45 : memref<16xf32, #tpu.memory_space<hbm>>) target(%arg12 : memref<16xf32, #tpu.memory_space<vmem>>) target_semaphore(%run_scoped3A : memref<!tpu.dma_semaphore, #tpu.memory_space<semaphore_mem>>)
      %dma_wait3A = tpu.memref_slice %arg6[%mul3A_38] : memref<64xf32, #tpu.memory_space<hbm>> -> memref<16xf32, #tpu.memory_space<hbm>>
      %dma_wait3A_46 = tpu.memref_slice %arg6[%mul3A_38] : memref<64xf32, #tpu.memory_space<hbm>> -> memref<16xf32, #tpu.memory_space<hbm>>
      tpu.wait_dma2 semaphore(%run_scoped3A : memref<!tpu.dma_semaphore, #tpu.memory_space<semaphore_mem>>) src(%dma_wait3A_46 : memref<16xf32, #tpu.memory_space<hbm>>) dst(%arg12 : memref<16xf32, #tpu.memory_space<vmem>>)
      tpu.yield
    }) : () -> ()
    %get3A = arith.constant 0 : index
    %get3A_39 = tpu.vector_load %arg12[%get3A] {strides = array<i32>} : memref<16xf32, #tpu.memory_space<vmem>>, vector<16xf32>,
    %parallel_loop3A = arith.constant 0 : i32
    %parallel_loop3A_40 = arith.constant 64 : i32
    %parallel_loop3A_41 = arith.constant 1 : i32
    scf.for %parallel_loop3A_45 = %parallel_loop3A to %parallel_loop3A_40 step %parallel_loop3A_41  : i32 {
      %parallel_loop3A_46 = arith.index_cast %parallel_loop3A_45 : i32 to index
      %parallel_loop3A_47 = arith.constant 0 : index
      %parallel_loop3A_48 = tpu.vector_load %arg13[%parallel_loop3A_46, %parallel_loop3A_47] {strides = array<i32>} : memref<64x512xf32, #tpu.memory_space<vmem>>, vector<16xf32>,
      tpu.vector_store %arg13[%parallel_loop3A_46, %parallel_loop3A_47], %get3A_39 {strides = array<i32>} : memref<64x512xf32, #tpu.memory_space<vmem>>, vector<16xf32>,
      %parallel_loop3A_49 = arith.index_cast %parallel_loop3A_45 : i32 to index
      %parallel_loop3A_50 = arith.constant 16 : index
      %parallel_loop3A_51 = tpu.vector_load %arg13[%parallel_loop3A_49, %parallel_loop3A_50] {strides = array<i32>} : memref<64x512xf32, #tpu.memory_space<vmem>>, vector<16xf32>,
      tpu.vector_store %arg13[%parallel_loop3A_49, %parallel_loop3A_50], %get3A_39 {strides = array<i32>} : memref<64x512xf32, #tpu.memory_space<vmem>>, vector<16xf32>,
      %parallel_loop3A_52 = arith.index_cast %parallel_loop3A_45 : i32 to index
      %parallel_loop3A_53 = arith.constant 32 : index
      %parallel_loop3A_54 = tpu.vector_load %arg13[%parallel_loop3A_52, %parallel_loop3A_53] {strides = array<i32>} : memref<64x512xf32, #tpu.memory_space<vmem>>, vector<16xf32>,
      tpu.vector_store %arg13[%parallel_loop3A_52, %parallel_loop3A_53], %get3A_39 {strides = array<i32>} : memref<64x512xf32, #tpu.memory_space<vmem>>, vector<16xf32>,
      %parallel_loop3A_55 = arith.index_cast %parallel_loop3A_45 : i32 to index
      %parallel_loop3A_56 = arith.constant 48 : index
      %parallel_loop3A_57 = tpu.vector_load %arg13[%parallel_loop3A_55, %parallel_loop3A_56] {strides = array<i32>} : memref<64x512xf32, #tpu.memory_space<vmem>>, vector<16xf32>,
      tpu.vector_store %arg13[%parallel_loop3A_55, %parallel_loop3A_56], %get3A_39 {strides = array<i32>} : memref<64x512xf32, #tpu.memory_space<vmem>>, vector<16xf32>,
      %parallel_loop3A_58 = arith.index_cast %parallel_loop3A_45 : i32 to index
      %parallel_loop3A_59 = arith.constant 64 : index
      %parallel_loop3A_60 = tpu.vector_load %arg13[%parallel_loop3A_58, %parallel_loop3A_59] {strides = array<i32>} : memref<64x512xf32, #tpu.memory_space<vmem>>, vector<16xf32>,
      tpu.vector_store %arg13[%parallel_loop3A_58, %parallel_loop3A_59], %get3A_39 {strides = array<i32>} : memref<64x512xf32, #tpu.memory_space<vmem>>, vector<16xf32>,
      %parallel_loop3A_61 = arith.index_cast %parallel_loop3A_45 : i32 to index
      %parallel_loop3A_62 = arith.constant 80 : index
      %parallel_loop3A_63 = tpu.vector_load %arg13[%parallel_loop3A_61, %parallel_loop3A_62] {strides = array<i32>} : memref<64x512xf32, #tpu.memory_space<vmem>>, vector<16xf32>,
      tpu.vector_store %arg13[%parallel_loop3A_61, %parallel_loop3A_62], %get3A_39 {strides = array<i32>} : memref<64x512xf32, #tpu.memory_space<vmem>>, vector<16xf32>,
      %parallel_loop3A_64 = arith.index_cast %parallel_loop3A_45 : i32 to index
      %parallel_loop3A_65 = arith.constant 96 : index
      %parallel_loop3A_66 = tpu.vector_load %arg13[%parallel_loop3A_64, %parallel_loop3A_65] {strides = array<i32>} : memref<64x512xf32, #tpu.memory_space<vmem>>, vector<16xf32>,
      tpu.vector_store %arg13[%parallel_loop3A_64, %parallel_loop3A_65], %get3A_39 {strides = array<i32>} : memref<64x512xf32, #tpu.memory_space<vmem>>, vector<16xf32>,
      %parallel_loop3A_67 = arith.index_cast %parallel_loop3A_45 : i32 to index
      %parallel_loop3A_68 = arith.constant 112 : index
      %parallel_loop3A_69 = tpu.vector_load %arg13[%parallel_loop3A_67, %parallel_loop3A_68] {strides = array<i32>} : memref<64x512xf32, #tpu.memory_space<vmem>>, vector<16xf32>,
      tpu.vector_store %arg13[%parallel_loop3A_67, %parallel_loop3A_68], %get3A_39 {strides = array<i32>} : memref<64x512xf32, #tpu.memory_space<vmem>>, vector<16xf32>,
      %parallel_loop3A_70 = arith.index_cast %parallel_loop3A_45 : i32 to index
      %parallel_loop3A_71 = arith.constant 128 : index
      %parallel_loop3A_72 = tpu.vector_load %arg13[%parallel_loop3A_70, %parallel_loop3A_71] {strides = array<i32>} : memref<64x512xf32, #tpu.memory_space<vmem>>, vector<16xf32>,
      tpu.vector_store %arg13[%parallel_loop3A_70, %parallel_loop3A_71], %get3A_39 {strides = array<i32>} : memref<64x512xf32, #tpu.memory_space<vmem>>, vector<16xf32>,
      %parallel_loop3A_73 = arith.index_cast %parallel_loop3A_45 : i32 to index
      %parallel_loop3A_74 = arith.constant 144 : index
      %parallel_loop3A_75 = tpu.vector_load %arg13[%parallel_loop3A_73, %parallel_loop3A_74] {strides = array<i32>} : memref<64x512xf32, #tpu.memory_space<vmem>>, vector<16xf32>,
      tpu.vector_store %arg13[%parallel_loop3A_73, %parallel_loop3A_74], %get3A_39 {strides = array<i32>} : memref<64x512xf32, #tpu.memory_space<vmem>>, vector<16xf32>,
      %parallel_loop3A_76 = arith.index_cast %parallel_loop3A_45 : i32 to index
      %parallel_loop3A_77 = arith.constant 160 : index
      %parallel_loop3A_78 = tpu.vector_load %arg13[%parallel_loop3A_76, %parallel_loop3A_77] {strides = array<i32>} : memref<64x512xf32, #tpu.memory_space<vmem>>, vector<16xf32>,
      tpu.vector_store %arg13[%parallel_loop3A_76, %parallel_loop3A_77], %get3A_39 {strides = array<i32>} : memref<64x512xf32, #tpu.memory_space<vmem>>, vector<16xf32>,
      %parallel_loop3A_79 = arith.index_cast %parallel_loop3A_45 : i32 to index
      %parallel_loop3A_80 = arith.constant 176 : index
      %parallel_loop3A_81 = tpu.vector_load %arg13[%parallel_loop3A_79, %parallel_loop3A_80] {strides = array<i32>} : memref<64x512xf32, #tpu.memory_space<vmem>>, vector<16xf32>,
      tpu.vector_store %arg13[%parallel_loop3A_79, %parallel_loop3A_80], %get3A_39 {strides = array<i32>} : memref<64x512xf32, #tpu.memory_space<vmem>>, vector<16xf32>,
      %parallel_loop3A_82 = arith.index_cast %parallel_loop3A_45 : i32 to index
      %parallel_loop3A_83 = arith.constant 192 : index
      %parallel_loop3A_84 = tpu.vector_load %arg13[%parallel_loop3A_82, %parallel_loop3A_83] {strides = array<i32>} : memref<64x512xf32, #tpu.memory_space<vmem>>, vector<16xf32>,
      tpu.vector_store %arg13[%parallel_loop3A_82, %parallel_loop3A_83], %get3A_39 {strides = array<i32>} : memref<64x512xf32, #tpu.memory_space<vmem>>, vector<16xf32>,
      %parallel_loop3A_85 = arith.index_cast %parallel_loop3A_45 : i32 to index
      %parallel_loop3A_86 = arith.constant 208 : index
      %parallel_loop3A_87 = tpu.vector_load %arg13[%parallel_loop3A_85, %parallel_loop3A_86] {strides = array<i32>} : memref<64x512xf32, #tpu.memory_space<vmem>>, vector<16xf32>,
      tpu.vector_store %arg13[%parallel_loop3A_85, %parallel_loop3A_86], %get3A_39 {strides = array<i32>} : memref<64x512xf32, #tpu.memory_space<vmem>>, vector<16xf32>,
      %parallel_loop3A_88 = arith.index_cast %parallel_loop3A_45 : i32 to index
      %parallel_loop3A_89 = arith.constant 224 : index
      %parallel_loop3A_90 = tpu.vector_load %arg13[%parallel_loop3A_88, %parallel_loop3A_89] {strides = array<i32>} : memref<64x512xf32, #tpu.memory_space<vmem>>, vector<16xf32>,
      tpu.vector_store %arg13[%parallel_loop3A_88, %parallel_loop3A_89], %get3A_39 {strides = array<i32>} : memref<64x512xf32, #tpu.memory_space<vmem>>, vector<16xf32>,
      %parallel_loop3A_91 = arith.index_cast %parallel_loop3A_45 : i32 to index
      %parallel_loop3A_92 = arith.constant 240 : index
      %parallel_loop3A_93 = tpu.vector_load %arg13[%parallel_loop3A_91, %parallel_loop3A_92] {strides = array<i32>} : memref<64x512xf32, #tpu.memory_space<vmem>>, vector<16xf32>,
      tpu.vector_store %arg13[%parallel_loop3A_91, %parallel_loop3A_92], %get3A_39 {strides = array<i32>} : memref<64x512xf32, #tpu.memory_space<vmem>>, vector<16xf32>,
      %parallel_loop3A_94 = arith.index_cast %parallel_loop3A_45 : i32 to index
      %parallel_loop3A_95 = arith.constant 256 : index
      %parallel_loop3A_96 = tpu.vector_load %arg13[%parallel_loop3A_94, %parallel_loop3A_95] {strides = array<i32>} : memref<64x512xf32, #tpu.memory_space<vmem>>, vector<16xf32>,
      tpu.vector_store %arg13[%parallel_loop3A_94, %parallel_loop3A_95], %get3A_39 {strides = array<i32>} : memref<64x512xf32, #tpu.memory_space<vmem>>, vector<16xf32>,
      %parallel_loop3A_97 = arith.index_cast %parallel_loop3A_45 : i32 to index
      %parallel_loop3A_98 = arith.constant 272 : index
      %parallel_loop3A_99 = tpu.vector_load %arg13[%parallel_loop3A_97, %parallel_loop3A_98] {strides = array<i32>} : memref<64x512xf32, #tpu.memory_space<vmem>>, vector<16xf32>,
      tpu.vector_store %arg13[%parallel_loop3A_97, %parallel_loop3A_98], %get3A_39 {strides = array<i32>} : memref<64x512xf32, #tpu.memory_space<vmem>>, vector<16xf32>,
      %parallel_loop3A_100 = arith.index_cast %parallel_loop3A_45 : i32 to index
      %parallel_loop3A_101 = arith.constant 288 : index
      %parallel_loop3A_102 = tpu.vector_load %arg13[%parallel_loop3A_100, %parallel_loop3A_101] {strides = array<i32>} : memref<64x512xf32, #tpu.memory_space<vmem>>, vector<16xf32>,
      tpu.vector_store %arg13[%parallel_loop3A_100, %parallel_loop3A_101], %get3A_39 {strides = array<i32>} : memref<64x512xf32, #tpu.memory_space<vmem>>, vector<16xf32>,
      %parallel_loop3A_103 = arith.index_cast %parallel_loop3A_45 : i32 to index
      %parallel_loop3A_104 = arith.constant 304 : index
      %parallel_loop3A_105 = tpu.vector_load %arg13[%parallel_loop3A_103, %parallel_loop3A_104] {strides = array<i32>} : memref<64x512xf32, #tpu.memory_space<vmem>>, vector<16xf32>,
      tpu.vector_store %arg13[%parallel_loop3A_103, %parallel_loop3A_104], %get3A_39 {strides = array<i32>} : memref<64x512xf32, #tpu.memory_space<vmem>>, vector<16xf32>,
      %parallel_loop3A_106 = arith.index_cast %parallel_loop3A_45 : i32 to index
      %parallel_loop3A_107 = arith.constant 320 : index
      %parallel_loop3A_108 = tpu.vector_load %arg13[%parallel_loop3A_106, %parallel_loop3A_107] {strides = array<i32>} : memref<64x512xf32, #tpu.memory_space<vmem>>, vector<16xf32>,
      tpu.vector_store %arg13[%parallel_loop3A_106, %parallel_loop3A_107], %get3A_39 {strides = array<i32>} : memref<64x512xf32, #tpu.memory_space<vmem>>, vector<16xf32>,
      %parallel_loop3A_109 = arith.index_cast %parallel_loop3A_45 : i32 to index
      %parallel_loop3A_110 = arith.constant 336 : index
      %parallel_loop3A_111 = tpu.vector_load %arg13[%parallel_loop3A_109, %parallel_loop3A_110] {strides = array<i32>} : memref<64x512xf32, #tpu.memory_space<vmem>>, vector<16xf32>,
      tpu.vector_store %arg13[%parallel_loop3A_109, %parallel_loop3A_110], %get3A_39 {strides = array<i32>} : memref<64x512xf32, #tpu.memory_space<vmem>>, vector<16xf32>,
      %parallel_loop3A_112 = arith.index_cast %parallel_loop3A_45 : i32 to index
      %parallel_loop3A_113 = arith.constant 352 : index
      %parallel_loop3A_114 = tpu.vector_load %arg13[%parallel_loop3A_112, %parallel_loop3A_113] {strides = array<i32>} : memref<64x512xf32, #tpu.memory_space<vmem>>, vector<16xf32>,
      tpu.vector_store %arg13[%parallel_loop3A_112, %parallel_loop3A_113], %get3A_39 {strides = array<i32>} : memref<64x512xf32, #tpu.memory_space<vmem>>, vector<16xf32>,
      %parallel_loop3A_115 = arith.index_cast %parallel_loop3A_45 : i32 to index
      %parallel_loop3A_116 = arith.constant 368 : index
      %parallel_loop3A_117 = tpu.vector_load %arg13[%parallel_loop3A_115, %parallel_loop3A_116] {strides = array<i32>} : memref<64x512xf32, #tpu.memory_space<vmem>>, vector<16xf32>,
      tpu.vector_store %arg13[%parallel_loop3A_115, %parallel_loop3A_116], %get3A_39 {strides = array<i32>} : memref<64x512xf32, #tpu.memory_space<vmem>>, vector<16xf32>,
      %parallel_loop3A_118 = arith.index_cast %parallel_loop3A_45 : i32 to index
      %parallel_loop3A_119 = arith.constant 384 : index
      %parallel_loop3A_120 = tpu.vector_load %arg13[%parallel_loop3A_118, %parallel_loop3A_119] {strides = array<i32>} : memref<64x512xf32, #tpu.memory_space<vmem>>, vector<16xf32>,
      tpu.vector_store %arg13[%parallel_loop3A_118, %parallel_loop3A_119], %get3A_39 {strides = array<i32>} : memref<64x512xf32, #tpu.memory_space<vmem>>, vector<16xf32>,
      %parallel_loop3A_121 = arith.index_cast %parallel_loop3A_45 : i32 to index
      %parallel_loop3A_122 = arith.constant 400 : index
      %parallel_loop3A_123 = tpu.vector_load %arg13[%parallel_loop3A_121, %parallel_loop3A_122] {strides = array<i32>} : memref<64x512xf32, #tpu.memory_space<vmem>>, vector<16xf32>,
      tpu.vector_store %arg13[%parallel_loop3A_121, %parallel_loop3A_122], %get3A_39 {strides = array<i32>} : memref<64x512xf32, #tpu.memory_space<vmem>>, vector<16xf32>,
      %parallel_loop3A_124 = arith.index_cast %parallel_loop3A_45 : i32 to index
      %parallel_loop3A_125 = arith.constant 416 : index
      %parallel_loop3A_126 = tpu.vector_load %arg13[%parallel_loop3A_124, %parallel_loop3A_125] {strides = array<i32>} : memref<64x512xf32, #tpu.memory_space<vmem>>, vector<16xf32>,
      tpu.vector_store %arg13[%parallel_loop3A_124, %parallel_loop3A_125], %get3A_39 {strides = array<i32>} : memref<64x512xf32, #tpu.memory_space<vmem>>, vector<16xf32>,
      %parallel_loop3A_127 = arith.index_cast %parallel_loop3A_45 : i32 to index
      %parallel_loop3A_128 = arith.constant 432 : index
      %parallel_loop3A_129 = tpu.vector_load %arg13[%parallel_loop3A_127, %parallel_loop3A_128] {strides = array<i32>} : memref<64x512xf32, #tpu.memory_space<vmem>>, vector<16xf32>,
      tpu.vector_store %arg13[%parallel_loop3A_127, %parallel_loop3A_128], %get3A_39 {strides = array<i32>} : memref<64x512xf32, #tpu.memory_space<vmem>>, vector<16xf32>,
      %parallel_loop3A_130 = arith.index_cast %parallel_loop3A_45 : i32 to index
      %parallel_loop3A_131 = arith.constant 448 : index
      %parallel_loop3A_132 = tpu.vector_load %arg13[%parallel_loop3A_130, %parallel_loop3A_131] {strides = array<i32>} : memref<64x512xf32, #tpu.memory_space<vmem>>, vector<16xf32>,
      tpu.vector_store %arg13[%parallel_loop3A_130, %parallel_loop3A_131], %get3A_39 {strides = array<i32>} : memref<64x512xf32, #tpu.memory_space<vmem>>, vector<16xf32>,
      %parallel_loop3A_133 = arith.index_cast %parallel_loop3A_45 : i32 to index
      %parallel_loop3A_134 = arith.constant 464 : index
      %parallel_loop3A_135 = tpu.vector_load %arg13[%parallel_loop3A_133, %parallel_loop3A_134] {strides = array<i32>} : memref<64x512xf32, #tpu.memory_space<vmem>>, vector<16xf32>,
      tpu.vector_store %arg13[%parallel_loop3A_133, %parallel_loop3A_134], %get3A_39 {strides = array<i32>} : memref<64x512xf32, #tpu.memory_space<vmem>>, vector<16xf32>,
      %parallel_loop3A_136 = arith.index_cast %parallel_loop3A_45 : i32 to index
      %parallel_loop3A_137 = arith.constant 480 : index
      %parallel_loop3A_138 = tpu.vector_load %arg13[%parallel_loop3A_136, %parallel_loop3A_137] {strides = array<i32>} : memref<64x512xf32, #tpu.memory_space<vmem>>, vector<16xf32>,
      tpu.vector_store %arg13[%parallel_loop3A_136, %parallel_loop3A_137], %get3A_39 {strides = array<i32>} : memref<64x512xf32, #tpu.memory_space<vmem>>, vector<16xf32>,
      %parallel_loop3A_139 = arith.index_cast %parallel_loop3A_45 : i32 to index
      %parallel_loop3A_140 = arith.constant 496 : index
      %parallel_loop3A_141 = tpu.vector_load %arg13[%parallel_loop3A_139, %parallel_loop3A_140] {strides = array<i32>} : memref<64x512xf32, #tpu.memory_space<vmem>>, vector<16xf32>,
      tpu.vector_store %arg13[%parallel_loop3A_139, %parallel_loop3A_140], %get3A_39 {strides = array<i32>} : memref<64x512xf32, #tpu.memory_space<vmem>>, vector<16xf32>,
    } {sc.loop_unroll_factor = 2 : i64, sc.parallel_access}
    %parallel_loop3A_42 = arith.constant 0 : i32
    %parallel_loop3A_43 = arith.constant 512 : i32
    %parallel_loop3A_44 = arith.constant 1 : i32
    scf.for %parallel_loop3A_45 = %parallel_loop3A_42 to %parallel_loop3A_43 step %parallel_loop3A_44  : i32 {
      %parallel_loop3A_46 = arith.constant 16 : i32
      %parallel_loop3A_47 = arith.muli %parallel_loop3A_45, %parallel_loop3A_46 : i32
      %parallel_loop3A_48 = arith.index_cast %parallel_loop3A_47 : i32 to index
      %parallel_loop3A_49 = tpu.vector_load %arg8[%parallel_loop3A_48] {strides = array<i32>} : memref<8192xi32, #tpu.memory_space<vmem>>, vector<16xi32>,
      %parallel_loop3A_50 = arith.constant 16 : i32
      %parallel_loop3A_51 = arith.muli %parallel_loop3A_45, %parallel_loop3A_50 : i32
      %parallel_loop3A_52 = arith.index_cast %parallel_loop3A_51 : i32 to index
      %parallel_loop3A_53 = tpu.vector_load %arg9[%parallel_loop3A_52] {strides = array<i32>} : memref<8192xi32, #tpu.memory_space<vmem>>, vector<16xi32>,
      %parallel_loop3A_54 = vector.broadcast %mul3A_32 : i32 to vector<16xi32>
      %parallel_loop3A_55 = arith.subi %parallel_loop3A_49, %parallel_loop3A_54 : vector<16xi32>
      %parallel_loop3A_56 = arith.constant 0 : i32
      %parallel_loop3A_57 = vector.broadcast %parallel_loop3A_56 : i32 to vector<16xi32>
      %parallel_loop3A_58 = arith.cmpi sge, %parallel_loop3A_55, %parallel_loop3A_57 : vector<16xi32>
      %parallel_loop3A_59 = arith.constant 64 : i32
      %parallel_loop3A_60 = vector.broadcast %parallel_loop3A_59 : i32 to vector<16xi32>
      %parallel_loop3A_61 = arith.cmpi slt, %parallel_loop3A_55, %parallel_loop3A_60 : vector<16xi32>
      %parallel_loop3A_62 = arith.andi %parallel_loop3A_58, %parallel_loop3A_61 : vector<16xi1>
      %parallel_loop3A_63 = arith.constant 0 : i32
      %parallel_loop3A_64 = vector.broadcast %parallel_loop3A_63 : i32 to vector<16xi32>
      %parallel_loop3A_65 = arith.select %parallel_loop3A_62, %parallel_loop3A_55, %parallel_loop3A_64 : vector<16xi1>, vector<16xi32>
      %parallel_loop3A_66 = tpu.vector_load_idx %arg10[%parallel_loop3A_49] : memref<512xf32, #tpu.memory_space<vmem>>[vector<16xi32>], vector<16xf32>,
      %parallel_loop3A_67 = tpu.vector_load_idx %arg11[%parallel_loop3A_53] : memref<512xf32, #tpu.memory_space<vmem>>[vector<16xi32>], vector<16xf32>,
      %parallel_loop3A_68 = arith.addf %parallel_loop3A_66, %parallel_loop3A_67 : vector<16xf32>
      %parallel_loop3A_69 = arith.constant 0.000000e+00 : f32
      %parallel_loop3A_70 = vector.broadcast %parallel_loop3A_69 : f32 to vector<16xf32>
      %parallel_loop3A_71 = arith.cmpf oge, %parallel_loop3A_68, %parallel_loop3A_70 : vector<16xf32>
      %parallel_loop3A_72 = arith.constant 2.000000e-01 : f32
      %parallel_loop3A_73 = vector.broadcast %parallel_loop3A_72 : f32 to vector<16xf32>
      %parallel_loop3A_74 = arith.mulf %parallel_loop3A_73, %parallel_loop3A_68 : vector<16xf32>
      %parallel_loop3A_75 = arith.select %parallel_loop3A_71, %parallel_loop3A_68, %parallel_loop3A_74 : vector<16xi1>, vector<16xf32>
      tpu.vector_store_idx %arg13[%parallel_loop3A_65, %parallel_loop3A_53], %parallel_loop3A_75 masked %parallel_loop3A_62 : memref<64x512xf32, #tpu.memory_space<vmem>>[vector<16xi32>, vector<16xi32>], vector<16xf32>, vector<16xi1>
    } {sc.loop_unroll_factor = 4 : i64, sc.parallel_access}
    "tpu.region"() ({
      %run_scoped3A = tpu.sem_alloc : memref<!tpu.dma_semaphore, #tpu.memory_space<semaphore_mem>>
      %dma_start3A = arith.constant 0 : i32
      %dma_start3A_45 = tpu.memref_slice %arg7[%select_n3A, %mul3A_32, %dma_start3A] : memref<4x512x512xf32, #tpu.memory_space<hbm>> -> memref<1x64x512xf32, #tpu.memory_space<hbm>>
      %dma_start3A_46 = tpu.memref_squeeze %dma_start3A_45 : memref<1x64x512xf32, #tpu.memory_space<hbm>> -> memref<64x512xf32, #tpu.memory_space<hbm>>
      %dma_start3A_47 = arith.constant 0 : i32
      %dma_start3A_48 = tpu.memref_slice %arg7[%select_n3A, %mul3A_32, %dma_start3A_47] : memref<4x512x512xf32, #tpu.memory_space<hbm>> -> memref<1x64x512xf32, #tpu.memory_space<hbm>>
      %dma_start3A_49 = tpu.memref_squeeze %dma_start3A_48 : memref<1x64x512xf32, #tpu.memory_space<hbm>> -> memref<64x512xf32, #tpu.memory_space<hbm>>
      tpu.enqueue_dma source(%arg13 : memref<64x512xf32, #tpu.memory_space<vmem>>) target(%dma_start3A_49 : memref<64x512xf32, #tpu.memory_space<hbm>>) target_semaphore(%run_scoped3A : memref<!tpu.dma_semaphore, #tpu.memory_space<semaphore_mem>>)
      %dma_wait3A = arith.constant 0 : i32
      %dma_wait3A_50 = tpu.memref_slice %arg7[%select_n3A, %mul3A_32, %dma_wait3A] : memref<4x512x512xf32, #tpu.memory_space<hbm>> -> memref<1x64x512xf32, #tpu.memory_space<hbm>>
      %dma_wait3A_51 = tpu.memref_squeeze %dma_wait3A_50 : memref<1x64x512xf32, #tpu.memory_space<hbm>> -> memref<64x512xf32, #tpu.memory_space<hbm>>
      %dma_wait3A_52 = arith.constant 0 : i32
      %dma_wait3A_53 = tpu.memref_slice %arg7[%select_n3A, %mul3A_32, %dma_wait3A_52] : memref<4x512x512xf32, #tpu.memory_space<hbm>> -> memref<1x64x512xf32, #tpu.memory_space<hbm>>
      %dma_wait3A_54 = tpu.memref_squeeze %dma_wait3A_53 : memref<1x64x512xf32, #tpu.memory_space<hbm>> -> memref<64x512xf32, #tpu.memory_space<hbm>>
      tpu.wait_dma2 semaphore(%run_scoped3A : memref<!tpu.dma_semaphore, #tpu.memory_space<semaphore_mem>>) src(%arg13 : memref<64x512xf32, #tpu.memory_space<vmem>>) dst(%dma_wait3A_54 : memref<64x512xf32, #tpu.memory_space<hbm>>)
      tpu.yield
    }) : () -> ()
    return
  }
}

module attributes {stable_mosaic.version = 14 : i64} {
  func.func @kern(%arg0: memref<512x128xf32, #tpu.memory_space<vmem>>, %arg1: memref<256x128xf32, #tpu.memory_space<vmem>>, %arg2: memref<4x128xf32, #tpu.memory_space<vmem>>, %arg3: memref<512x256xf32, #tpu.memory_space<vmem>>, %arg4: memref<4x512xf32, #tpu.memory_space<vmem>>, %arg5: memref<4x512xf32, #tpu.memory_space<vmem>>, %arg6: memref<4x16xf32, #tpu.memory_space<vmem>>) attributes {dimension_semantics = [], scalar_prefetch = 0 : i64, scratch_operands = 0 : i64, tpu.core_type = #tpu.core_type<tc>} {
    %get3A = arith.constant 0 : index
    %get3A_0 = arith.constant 0 : index
    %get3A_1 = vector.load %arg0[%get3A, %get3A_0] : memref<512x128xf32, #tpu.memory_space<vmem>>, vector<512x128xf32>
    %get3A_2 = arith.constant 0 : index
    %get3A_3 = arith.constant 0 : index
    %get3A_4 = vector.load %arg1[%get3A_2, %get3A_3] : memref<256x128xf32, #tpu.memory_space<vmem>>, vector<256x128xf32>
    %dot_general3A = arith.constant dense<0.000000e+00> : vector<512x256xf32>
    %dot_general3A_5 = tpu.matmul %get3A_1, %get3A_4, %dot_general3A {dimension_numbers = #tpu.dot_dimension_numbers<[1], [1], [0], [0], [0, 0, 1, 0], [], []>, transpose_lhs_hint = false} : vector<512x128xf32>, vector<256x128xf32>, vector<512x256xf32> -> vector<512x256xf32>
    %swap3A = arith.constant 0 : index
    %swap3A_6 = arith.constant 0 : index
    %swap3A_7 = vector.load %arg3[%swap3A, %swap3A_6] : memref<512x256xf32, #tpu.memory_space<vmem>>, vector<512x256xf32>
    tpu.vector_store %arg3[%swap3A, %swap3A_6], %dot_general3A_5 {strides = array<i32>} : memref<512x256xf32, #tpu.memory_space<vmem>>, vector<512x256xf32>,
    %slice3A = vector.extract_strided_slice %dot_general3A_5 {offsets = [0, 0], sizes = [512, 64], strides = [1, 1]} : vector<512x256xf32> to vector<512x64xf32>
    %get3A_8 = arith.constant 0 : index
    %get3A_9 = arith.constant 0 : index
    %get3A_10 = vector.load %arg2[%get3A_8, %get3A_9] : memref<4x128xf32, #tpu.memory_space<vmem>>, vector<1x64xf32>
    %get3A_11 = vector.shape_cast %get3A_10 : vector<1x64xf32> to vector<64xf32>
    %dot_general3A_12 = arith.constant dense<0.000000e+00> : vector<512xf32>
    %dot_general3A_13 = tpu.matmul %slice3A, %get3A_11, %dot_general3A_12 {dimension_numbers = #tpu.dot_dimension_numbers<[1], [0], [0], [], [0, 0], [], []>, transpose_lhs_hint = false} : vector<512x64xf32>, vector<64xf32>, vector<512xf32> -> vector<512xf32>
    %swap3A_14 = arith.constant 0 : index
    %swap3A_15 = arith.constant 0 : index
    %swap3A_16 = vector.load %arg4[%swap3A_14, %swap3A_15] : memref<4x512xf32, #tpu.memory_space<vmem>>, vector<1x512xf32>
    %swap3A_17 = vector.shape_cast %swap3A_16 : vector<1x512xf32> to vector<512xf32>
    %swap3A_18 = vector.shape_cast %dot_general3A_13 : vector<512xf32> to vector<1x512xf32>
    tpu.vector_store %arg4[%swap3A_14, %swap3A_15], %swap3A_18 {strides = array<i32>} : memref<4x512xf32, #tpu.memory_space<vmem>>, vector<1x512xf32>,
    %get3A_19 = arith.constant 0 : index
    %get3A_20 = arith.constant 64 : index
    %get3A_21 = vector.load %arg2[%get3A_19, %get3A_20] : memref<4x128xf32, #tpu.memory_space<vmem>>, vector<1x64xf32>
    %get3A_22 = vector.shape_cast %get3A_21 : vector<1x64xf32> to vector<64xf32>
    %dot_general3A_23 = arith.constant dense<0.000000e+00> : vector<512xf32>
    %dot_general3A_24 = tpu.matmul %slice3A, %get3A_22, %dot_general3A_23 {dimension_numbers = #tpu.dot_dimension_numbers<[1], [0], [0], [], [0, 0], [], []>, transpose_lhs_hint = false} : vector<512x64xf32>, vector<64xf32>, vector<512xf32> -> vector<512xf32>
    %swap3A_25 = arith.constant 0 : index
    %swap3A_26 = arith.constant 0 : index
    %swap3A_27 = vector.load %arg5[%swap3A_25, %swap3A_26] : memref<4x512xf32, #tpu.memory_space<vmem>>, vector<1x512xf32>
    %swap3A_28 = vector.shape_cast %swap3A_27 : vector<1x512xf32> to vector<512xf32>
    %swap3A_29 = vector.shape_cast %dot_general3A_24 : vector<512xf32> to vector<1x512xf32>
    tpu.vector_store %arg5[%swap3A_25, %swap3A_26], %swap3A_29 {strides = array<i32>} : memref<4x512xf32, #tpu.memory_space<vmem>>, vector<1x512xf32>,
    %slice3A_30 = vector.extract_strided_slice %dot_general3A_5 {offsets = [0, 64], sizes = [512, 64], strides = [1, 1]} : vector<512x256xf32> to vector<512x64xf32>
    %get3A_31 = arith.constant 1 : index
    %get3A_32 = arith.constant 0 : index
    %get3A_33 = vector.load %arg2[%get3A_31, %get3A_32] : memref<4x128xf32, #tpu.memory_space<vmem>>, vector<1x64xf32>
    %get3A_34 = vector.shape_cast %get3A_33 : vector<1x64xf32> to vector<64xf32>
    %dot_general3A_35 = arith.constant dense<0.000000e+00> : vector<512xf32>
    %dot_general3A_36 = tpu.matmul %slice3A_30, %get3A_34, %dot_general3A_35 {dimension_numbers = #tpu.dot_dimension_numbers<[1], [0], [0], [], [0, 0], [], []>, transpose_lhs_hint = false} : vector<512x64xf32>, vector<64xf32>, vector<512xf32> -> vector<512xf32>
    %swap3A_37 = arith.constant 1 : index
    %swap3A_38 = arith.constant 0 : index
    %swap3A_39 = vector.load %arg4[%swap3A_37, %swap3A_38] : memref<4x512xf32, #tpu.memory_space<vmem>>, vector<1x512xf32>
    %swap3A_40 = vector.shape_cast %swap3A_39 : vector<1x512xf32> to vector<512xf32>
    %swap3A_41 = vector.shape_cast %dot_general3A_36 : vector<512xf32> to vector<1x512xf32>
    tpu.vector_store %arg4[%swap3A_37, %swap3A_38], %swap3A_41 {strides = array<i32>} : memref<4x512xf32, #tpu.memory_space<vmem>>, vector<1x512xf32>,
    %get3A_42 = arith.constant 1 : index
    %get3A_43 = arith.constant 64 : index
    %get3A_44 = vector.load %arg2[%get3A_42, %get3A_43] : memref<4x128xf32, #tpu.memory_space<vmem>>, vector<1x64xf32>
    %get3A_45 = vector.shape_cast %get3A_44 : vector<1x64xf32> to vector<64xf32>
    %dot_general3A_46 = arith.constant dense<0.000000e+00> : vector<512xf32>
    %dot_general3A_47 = tpu.matmul %slice3A_30, %get3A_45, %dot_general3A_46 {dimension_numbers = #tpu.dot_dimension_numbers<[1], [0], [0], [], [0, 0], [], []>, transpose_lhs_hint = false} : vector<512x64xf32>, vector<64xf32>, vector<512xf32> -> vector<512xf32>
    %swap3A_48 = arith.constant 1 : index
    %swap3A_49 = arith.constant 0 : index
    %swap3A_50 = vector.load %arg5[%swap3A_48, %swap3A_49] : memref<4x512xf32, #tpu.memory_space<vmem>>, vector<1x512xf32>
    %swap3A_51 = vector.shape_cast %swap3A_50 : vector<1x512xf32> to vector<512xf32>
    %swap3A_52 = vector.shape_cast %dot_general3A_47 : vector<512xf32> to vector<1x512xf32>
    tpu.vector_store %arg5[%swap3A_48, %swap3A_49], %swap3A_52 {strides = array<i32>} : memref<4x512xf32, #tpu.memory_space<vmem>>, vector<1x512xf32>,
    %slice3A_53 = vector.extract_strided_slice %dot_general3A_5 {offsets = [0, 128], sizes = [512, 64], strides = [1, 1]} : vector<512x256xf32> to vector<512x64xf32>
    %get3A_54 = arith.constant 2 : index
    %get3A_55 = arith.constant 0 : index
    %get3A_56 = vector.load %arg2[%get3A_54, %get3A_55] : memref<4x128xf32, #tpu.memory_space<vmem>>, vector<1x64xf32>
    %get3A_57 = vector.shape_cast %get3A_56 : vector<1x64xf32> to vector<64xf32>
    %dot_general3A_58 = arith.constant dense<0.000000e+00> : vector<512xf32>
    %dot_general3A_59 = tpu.matmul %slice3A_53, %get3A_57, %dot_general3A_58 {dimension_numbers = #tpu.dot_dimension_numbers<[1], [0], [0], [], [0, 0], [], []>, transpose_lhs_hint = false} : vector<512x64xf32>, vector<64xf32>, vector<512xf32> -> vector<512xf32>
    %swap3A_60 = arith.constant 2 : index
    %swap3A_61 = arith.constant 0 : index
    %swap3A_62 = vector.load %arg4[%swap3A_60, %swap3A_61] : memref<4x512xf32, #tpu.memory_space<vmem>>, vector<1x512xf32>
    %swap3A_63 = vector.shape_cast %swap3A_62 : vector<1x512xf32> to vector<512xf32>
    %swap3A_64 = vector.shape_cast %dot_general3A_59 : vector<512xf32> to vector<1x512xf32>
    tpu.vector_store %arg4[%swap3A_60, %swap3A_61], %swap3A_64 {strides = array<i32>} : memref<4x512xf32, #tpu.memory_space<vmem>>, vector<1x512xf32>,
    %get3A_65 = arith.constant 2 : index
    %get3A_66 = arith.constant 64 : index
    %get3A_67 = vector.load %arg2[%get3A_65, %get3A_66] : memref<4x128xf32, #tpu.memory_space<vmem>>, vector<1x64xf32>
    %get3A_68 = vector.shape_cast %get3A_67 : vector<1x64xf32> to vector<64xf32>
    %dot_general3A_69 = arith.constant dense<0.000000e+00> : vector<512xf32>
    %dot_general3A_70 = tpu.matmul %slice3A_53, %get3A_68, %dot_general3A_69 {dimension_numbers = #tpu.dot_dimension_numbers<[1], [0], [0], [], [0, 0], [], []>, transpose_lhs_hint = false} : vector<512x64xf32>, vector<64xf32>, vector<512xf32> -> vector<512xf32>
    %swap3A_71 = arith.constant 2 : index
    %swap3A_72 = arith.constant 0 : index
    %swap3A_73 = vector.load %arg5[%swap3A_71, %swap3A_72] : memref<4x512xf32, #tpu.memory_space<vmem>>, vector<1x512xf32>
    %swap3A_74 = vector.shape_cast %swap3A_73 : vector<1x512xf32> to vector<512xf32>
    %swap3A_75 = vector.shape_cast %dot_general3A_70 : vector<512xf32> to vector<1x512xf32>
    tpu.vector_store %arg5[%swap3A_71, %swap3A_72], %swap3A_75 {strides = array<i32>} : memref<4x512xf32, #tpu.memory_space<vmem>>, vector<1x512xf32>,
    %slice3A_76 = vector.extract_strided_slice %dot_general3A_5 {offsets = [0, 192], sizes = [512, 64], strides = [1, 1]} : vector<512x256xf32> to vector<512x64xf32>
    %get3A_77 = arith.constant 3 : index
    %get3A_78 = arith.constant 0 : index
    %get3A_79 = vector.load %arg2[%get3A_77, %get3A_78] : memref<4x128xf32, #tpu.memory_space<vmem>>, vector<1x64xf32>
    %get3A_80 = vector.shape_cast %get3A_79 : vector<1x64xf32> to vector<64xf32>
    %dot_general3A_81 = arith.constant dense<0.000000e+00> : vector<512xf32>
    %dot_general3A_82 = tpu.matmul %slice3A_76, %get3A_80, %dot_general3A_81 {dimension_numbers = #tpu.dot_dimension_numbers<[1], [0], [0], [], [0, 0], [], []>, transpose_lhs_hint = false} : vector<512x64xf32>, vector<64xf32>, vector<512xf32> -> vector<512xf32>
    %swap3A_83 = arith.constant 3 : index
    %swap3A_84 = arith.constant 0 : index
    %swap3A_85 = vector.load %arg4[%swap3A_83, %swap3A_84] : memref<4x512xf32, #tpu.memory_space<vmem>>, vector<1x512xf32>
    %swap3A_86 = vector.shape_cast %swap3A_85 : vector<1x512xf32> to vector<512xf32>
    %swap3A_87 = vector.shape_cast %dot_general3A_82 : vector<512xf32> to vector<1x512xf32>
    tpu.vector_store %arg4[%swap3A_83, %swap3A_84], %swap3A_87 {strides = array<i32>} : memref<4x512xf32, #tpu.memory_space<vmem>>, vector<1x512xf32>,
    %get3A_88 = arith.constant 3 : index
    %get3A_89 = arith.constant 64 : index
    %get3A_90 = vector.load %arg2[%get3A_88, %get3A_89] : memref<4x128xf32, #tpu.memory_space<vmem>>, vector<1x64xf32>
    %get3A_91 = vector.shape_cast %get3A_90 : vector<1x64xf32> to vector<64xf32>
    %dot_general3A_92 = arith.constant dense<0.000000e+00> : vector<512xf32>
    %dot_general3A_93 = tpu.matmul %slice3A_76, %get3A_91, %dot_general3A_92 {dimension_numbers = #tpu.dot_dimension_numbers<[1], [0], [0], [], [0, 0], [], []>, transpose_lhs_hint = false} : vector<512x64xf32>, vector<64xf32>, vector<512xf32> -> vector<512xf32>
    %swap3A_94 = arith.constant 3 : index
    %swap3A_95 = arith.constant 0 : index
    %swap3A_96 = vector.load %arg5[%swap3A_94, %swap3A_95] : memref<4x512xf32, #tpu.memory_space<vmem>>, vector<1x512xf32>
    %swap3A_97 = vector.shape_cast %swap3A_96 : vector<1x512xf32> to vector<512xf32>
    %swap3A_98 = vector.shape_cast %dot_general3A_93 : vector<512xf32> to vector<1x512xf32>
    tpu.vector_store %arg5[%swap3A_94, %swap3A_95], %swap3A_98 {strides = array<i32>} : memref<4x512xf32, #tpu.memory_space<vmem>>, vector<1x512xf32>,
    %get3A_99 = arith.constant 0 : index
    %get3A_100 = arith.constant 0 : index
    %get3A_101 = vector.load %arg2[%get3A_99, %get3A_100] : memref<4x128xf32, #tpu.memory_space<vmem>>, vector<4x128xf32>
    %reduce_sum3A = arith.constant dense<0.000000e+00> : vector<4xf32>
    %reduce_sum3A_102 = vector.multi_reduction <add>, %get3A_101, %reduce_sum3A [1] : vector<4x128xf32> to vector<4xf32>
    %broadcast_in_dim3A = vector.shape_cast %reduce_sum3A_102 : vector<4xf32> to vector<4x1xf32>
    %mul3A = arith.constant -9.000000e+15 : f32
    %mul3A_103 = vector.broadcast %mul3A : f32 to vector<4x1xf32>
    %mul3A_104 = arith.mulf %mul3A_103, %broadcast_in_dim3A : vector<4x1xf32>
    %ge3A = arith.constant 0.000000e+00 : f32
    %ge3A_105 = vector.broadcast %ge3A : f32 to vector<4x1xf32>
    %ge3A_106 = arith.cmpf oge, %mul3A_104, %ge3A_105 : vector<4x1xf32>
    %mul3A_107 = arith.constant 2.000000e-01 : f32
    %mul3A_108 = vector.broadcast %mul3A_107 : f32 to vector<4x1xf32>
    %mul3A_109 = arith.mulf %mul3A_108, %mul3A_104 : vector<4x1xf32>
    %select_n3A = arith.select %ge3A_106, %mul3A_104, %mul3A_109 : vector<4x1xi1>, vector<4x1xf32>
    %broadcast_in_dim3A_110 = vector.shape_cast %select_n3A : vector<4x1xf32> to vector<4x1xf32>
    %broadcast_in_dim3A_111 = vector.broadcast %broadcast_in_dim3A_110 : vector<4x1xf32> to vector<4x16xf32>
    %swap3A_112 = arith.constant 0 : index
    %swap3A_113 = arith.constant 0 : index
    %swap3A_114 = vector.load %arg6[%swap3A_112, %swap3A_113] : memref<4x16xf32, #tpu.memory_space<vmem>>, vector<4x16xf32>
    tpu.vector_store %arg6[%swap3A_112, %swap3A_113], %broadcast_in_dim3A_111 {strides = array<i32>} : memref<4x16xf32, #tpu.memory_space<vmem>>, vector<4x16xf32>,
    return
  }
}

module attributes {stable_mosaic.version = 14 : i64} {
  func.func @kern(%arg0: memref<1x512x512xf32, #tpu.memory_space<vmem>>, %arg1: memref<512x128xf32, #tpu.memory_space<vmem>>, %arg2: memref<512x128xf32, #tpu.memory_space<vmem>>) attributes {dimension_semantics = [], scalar_prefetch = 0 : i64, scratch_operands = 0 : i64, tpu.core_type = #tpu.core_type<tc>} {
    %get3A = arith.constant 0 : index
    %get3A_0 = arith.constant 0 : index
    %get3A_1 = arith.constant 0 : index
    %get3A_2 = vector.load %arg0[%get3A, %get3A_0, %get3A_1] : memref<1x512x512xf32, #tpu.memory_space<vmem>>, vector<1x512x512xf32>
    %get3A_3 = vector.shape_cast %get3A_2 : vector<1x512x512xf32> to vector<512x512xf32>
    %get3A_4 = arith.constant 0 : index
    %get3A_5 = arith.constant 0 : index
    %get3A_6 = vector.load %arg1[%get3A_4, %get3A_5] : memref<512x128xf32, #tpu.memory_space<vmem>>, vector<512x128xf32>
    %reduce_max3A = arith.constant dense<0xFF800000> : vector<512xf32>
    %reduce_max3A_7 = vector.multi_reduction <maximumf>, %get3A_3, %reduce_max3A [1] : vector<512x512xf32> to vector<512xf32>
    %broadcast_in_dim3A = vector.shape_cast %reduce_max3A_7 : vector<512xf32> to vector<512x1xf32>
    %sub3A = vector.broadcast %broadcast_in_dim3A : vector<512x1xf32> to vector<512x512xf32>
    %sub3A_8 = arith.subf %get3A_3, %sub3A : vector<512x512xf32>
    %exp3A = math.exp %sub3A_8 : vector<512x512xf32>
    %reduce_sum3A = arith.constant dense<0.000000e+00> : vector<512xf32>
    %reduce_sum3A_9 = vector.multi_reduction <add>, %exp3A, %reduce_sum3A [1] : vector<512x512xf32> to vector<512xf32>
    %broadcast_in_dim3A_10 = vector.shape_cast %reduce_sum3A_9 : vector<512xf32> to vector<512x1xf32>
    %div3A = vector.broadcast %broadcast_in_dim3A_10 : vector<512x1xf32> to vector<512x512xf32>
    %div3A_11 = arith.divf %exp3A, %div3A : vector<512x512xf32>
    %dot_general3A = arith.constant dense<0.000000e+00> : vector<512x128xf32>
    %dot_general3A_12 = tpu.matmul %div3A_11, %get3A_6, %dot_general3A {dimension_numbers = #tpu.dot_dimension_numbers<[1], [0], [0], [1], [0, 0, 1, 1], [], []>, transpose_lhs_hint = false} : vector<512x512xf32>, vector<512x128xf32>, vector<512x128xf32> -> vector<512x128xf32>
    %gt3A = arith.constant 0.000000e+00 : f32
    %gt3A_13 = vector.broadcast %gt3A : f32 to vector<512x128xf32>
    %gt3A_14 = arith.cmpf ogt, %dot_general3A_12, %gt3A_13 : vector<512x128xf32>
    %exp3A_15 = math.exp %dot_general3A_12 : vector<512x128xf32>
    %sub3A_16 = arith.constant 1.000000e+00 : f32
    %sub3A_17 = vector.broadcast %sub3A_16 : f32 to vector<512x128xf32>
    %sub3A_18 = arith.subf %exp3A_15, %sub3A_17 : vector<512x128xf32>
    %select_n3A = arith.select %gt3A_14, %dot_general3A_12, %sub3A_18 : vector<512x128xi1>, vector<512x128xf32>
    %gt3A_19 = arith.constant 0.000000e+00 : f32
    %gt3A_20 = vector.broadcast %gt3A_19 : f32 to vector<512x128xf32>
    %gt3A_21 = arith.cmpf ogt, %select_n3A, %gt3A_20 : vector<512x128xf32>
    %exp3A_22 = math.exp %select_n3A : vector<512x128xf32>
    %sub3A_23 = arith.constant 1.000000e+00 : f32
    %sub3A_24 = vector.broadcast %sub3A_23 : f32 to vector<512x128xf32>
    %sub3A_25 = arith.subf %exp3A_22, %sub3A_24 : vector<512x128xf32>
    %select_n3A_26 = arith.select %gt3A_21, %select_n3A, %sub3A_25 : vector<512x128xi1>, vector<512x128xf32>
    %swap3A = arith.constant 0 : index
    %swap3A_27 = arith.constant 0 : index
    %swap3A_28 = vector.load %arg2[%swap3A, %swap3A_27] : memref<512x128xf32, #tpu.memory_space<vmem>>, vector<512x128xf32>
    tpu.vector_store %arg2[%swap3A, %swap3A_27], %select_n3A_26 {strides = array<i32>} : memref<512x128xf32, #tpu.memory_space<vmem>>, vector<512x128xf32>,
    return
  }
}

module attributes {stable_mosaic.version = 14 : i64} {
  func.func @kern(%arg0: memref<4x512x512xf32, #tpu.memory_space<vmem>>, %arg1: memref<512x256xf32, #tpu.memory_space<vmem>>, %arg2: memref<128x256xf32, #tpu.memory_space<vmem>>, %arg3: memref<1x256xf32, #tpu.memory_space<vmem>>, %arg4: memref<512x128xf32, #tpu.memory_space<vmem>>, %arg5: memref<1x512xf32, #tpu.memory_space<vmem>>, %arg6: memref<1x512xf32, #tpu.memory_space<vmem>>, %arg7: memref<1x16xf32, #tpu.memory_space<vmem>>) attributes {dimension_semantics = [], scalar_prefetch = 0 : i64, scratch_operands = 0 : i64, tpu.core_type = #tpu.core_type<tc>} {
    %get3A = arith.constant 0 : index
    %get3A_0 = arith.constant 0 : index
    %get3A_1 = arith.constant 0 : index
    %get3A_2 = vector.load %arg0[%get3A, %get3A_0, %get3A_1] : memref<4x512x512xf32, #tpu.memory_space<vmem>>, vector<1x512x512xf32>
    %get3A_3 = vector.shape_cast %get3A_2 : vector<1x512x512xf32> to vector<512x512xf32>
    %get3A_4 = arith.constant 0 : index
    %get3A_5 = arith.constant 0 : index
    %get3A_6 = vector.load %arg1[%get3A_4, %get3A_5] : memref<512x256xf32, #tpu.memory_space<vmem>>, vector<512x64xf32>
    %reduce_max3A = arith.constant dense<0xFF800000> : vector<512xf32>
    %reduce_max3A_7 = vector.multi_reduction <maximumf>, %get3A_3, %reduce_max3A [1] : vector<512x512xf32> to vector<512xf32>
    %broadcast_in_dim3A = vector.shape_cast %reduce_max3A_7 : vector<512xf32> to vector<512x1xf32>
    %sub3A = vector.broadcast %broadcast_in_dim3A : vector<512x1xf32> to vector<512x512xf32>
    %sub3A_8 = arith.subf %get3A_3, %sub3A : vector<512x512xf32>
    %exp3A = math.exp %sub3A_8 : vector<512x512xf32>
    %reduce_sum3A = arith.constant dense<0.000000e+00> : vector<512xf32>
    %reduce_sum3A_9 = vector.multi_reduction <add>, %exp3A, %reduce_sum3A [1] : vector<512x512xf32> to vector<512xf32>
    %broadcast_in_dim3A_10 = vector.shape_cast %reduce_sum3A_9 : vector<512xf32> to vector<512x1xf32>
    %div3A = vector.broadcast %broadcast_in_dim3A_10 : vector<512x1xf32> to vector<512x512xf32>
    %div3A_11 = arith.divf %exp3A, %div3A : vector<512x512xf32>
    %dot_general3A = arith.constant dense<0.000000e+00> : vector<512x64xf32>
    %dot_general3A_12 = tpu.matmul %div3A_11, %get3A_6, %dot_general3A {dimension_numbers = #tpu.dot_dimension_numbers<[1], [0], [0], [1], [0, 0, 1, 1], [], []>, transpose_lhs_hint = false} : vector<512x512xf32>, vector<512x64xf32>, vector<512x64xf32> -> vector<512x64xf32>
    %gt3A = arith.constant 0.000000e+00 : f32
    %gt3A_13 = vector.broadcast %gt3A : f32 to vector<512x64xf32>
    %gt3A_14 = arith.cmpf ogt, %dot_general3A_12, %gt3A_13 : vector<512x64xf32>
    %exp3A_15 = math.exp %dot_general3A_12 : vector<512x64xf32>
    %sub3A_16 = arith.constant 1.000000e+00 : f32
    %sub3A_17 = vector.broadcast %sub3A_16 : f32 to vector<512x64xf32>
    %sub3A_18 = arith.subf %exp3A_15, %sub3A_17 : vector<512x64xf32>
    %select_n3A = arith.select %gt3A_14, %dot_general3A_12, %sub3A_18 : vector<512x64xi1>, vector<512x64xf32>
    %get3A_19 = arith.constant 1 : index
    %get3A_20 = arith.constant 0 : index
    %get3A_21 = arith.constant 0 : index
    %get3A_22 = vector.load %arg0[%get3A_19, %get3A_20, %get3A_21] : memref<4x512x512xf32, #tpu.memory_space<vmem>>, vector<1x512x512xf32>
    %get3A_23 = vector.shape_cast %get3A_22 : vector<1x512x512xf32> to vector<512x512xf32>
    %get3A_24 = arith.constant 0 : index
    %get3A_25 = arith.constant 64 : index
    %get3A_26 = vector.load %arg1[%get3A_24, %get3A_25] : memref<512x256xf32, #tpu.memory_space<vmem>>, vector<512x64xf32>
    %reduce_max3A_27 = arith.constant dense<0xFF800000> : vector<512xf32>
    %reduce_max3A_28 = vector.multi_reduction <maximumf>, %get3A_23, %reduce_max3A_27 [1] : vector<512x512xf32> to vector<512xf32>
    %broadcast_in_dim3A_29 = vector.shape_cast %reduce_max3A_28 : vector<512xf32> to vector<512x1xf32>
    %sub3A_30 = vector.broadcast %broadcast_in_dim3A_29 : vector<512x1xf32> to vector<512x512xf32>
    %sub3A_31 = arith.subf %get3A_23, %sub3A_30 : vector<512x512xf32>
    %exp3A_32 = math.exp %sub3A_31 : vector<512x512xf32>
    %reduce_sum3A_33 = arith.constant dense<0.000000e+00> : vector<512xf32>
    %reduce_sum3A_34 = vector.multi_reduction <add>, %exp3A_32, %reduce_sum3A_33 [1] : vector<512x512xf32> to vector<512xf32>
    %broadcast_in_dim3A_35 = vector.shape_cast %reduce_sum3A_34 : vector<512xf32> to vector<512x1xf32>
    %div3A_36 = vector.broadcast %broadcast_in_dim3A_35 : vector<512x1xf32> to vector<512x512xf32>
    %div3A_37 = arith.divf %exp3A_32, %div3A_36 : vector<512x512xf32>
    %dot_general3A_38 = arith.constant dense<0.000000e+00> : vector<512x64xf32>
    %dot_general3A_39 = tpu.matmul %div3A_37, %get3A_26, %dot_general3A_38 {dimension_numbers = #tpu.dot_dimension_numbers<[1], [0], [0], [1], [0, 0, 1, 1], [], []>, transpose_lhs_hint = false} : vector<512x512xf32>, vector<512x64xf32>, vector<512x64xf32> -> vector<512x64xf32>
    %gt3A_40 = arith.constant 0.000000e+00 : f32
    %gt3A_41 = vector.broadcast %gt3A_40 : f32 to vector<512x64xf32>
    %gt3A_42 = arith.cmpf ogt, %dot_general3A_39, %gt3A_41 : vector<512x64xf32>
    %exp3A_43 = math.exp %dot_general3A_39 : vector<512x64xf32>
    %sub3A_44 = arith.constant 1.000000e+00 : f32
    %sub3A_45 = vector.broadcast %sub3A_44 : f32 to vector<512x64xf32>
    %sub3A_46 = arith.subf %exp3A_43, %sub3A_45 : vector<512x64xf32>
    %select_n3A_47 = arith.select %gt3A_42, %dot_general3A_39, %sub3A_46 : vector<512x64xi1>, vector<512x64xf32>
    %get3A_48 = arith.constant 2 : index
    %get3A_49 = arith.constant 0 : index
    %get3A_50 = arith.constant 0 : index
    %get3A_51 = vector.load %arg0[%get3A_48, %get3A_49, %get3A_50] : memref<4x512x512xf32, #tpu.memory_space<vmem>>, vector<1x512x512xf32>
    %get3A_52 = vector.shape_cast %get3A_51 : vector<1x512x512xf32> to vector<512x512xf32>
    %get3A_53 = arith.constant 0 : index
    %get3A_54 = arith.constant 128 : index
    %get3A_55 = vector.load %arg1[%get3A_53, %get3A_54] : memref<512x256xf32, #tpu.memory_space<vmem>>, vector<512x64xf32>
    %reduce_max3A_56 = arith.constant dense<0xFF800000> : vector<512xf32>
    %reduce_max3A_57 = vector.multi_reduction <maximumf>, %get3A_52, %reduce_max3A_56 [1] : vector<512x512xf32> to vector<512xf32>
    %broadcast_in_dim3A_58 = vector.shape_cast %reduce_max3A_57 : vector<512xf32> to vector<512x1xf32>
    %sub3A_59 = vector.broadcast %broadcast_in_dim3A_58 : vector<512x1xf32> to vector<512x512xf32>
    %sub3A_60 = arith.subf %get3A_52, %sub3A_59 : vector<512x512xf32>
    %exp3A_61 = math.exp %sub3A_60 : vector<512x512xf32>
    %reduce_sum3A_62 = arith.constant dense<0.000000e+00> : vector<512xf32>
    %reduce_sum3A_63 = vector.multi_reduction <add>, %exp3A_61, %reduce_sum3A_62 [1] : vector<512x512xf32> to vector<512xf32>
    %broadcast_in_dim3A_64 = vector.shape_cast %reduce_sum3A_63 : vector<512xf32> to vector<512x1xf32>
    %div3A_65 = vector.broadcast %broadcast_in_dim3A_64 : vector<512x1xf32> to vector<512x512xf32>
    %div3A_66 = arith.divf %exp3A_61, %div3A_65 : vector<512x512xf32>
    %dot_general3A_67 = arith.constant dense<0.000000e+00> : vector<512x64xf32>
    %dot_general3A_68 = tpu.matmul %div3A_66, %get3A_55, %dot_general3A_67 {dimension_numbers = #tpu.dot_dimension_numbers<[1], [0], [0], [1], [0, 0, 1, 1], [], []>, transpose_lhs_hint = false} : vector<512x512xf32>, vector<512x64xf32>, vector<512x64xf32> -> vector<512x64xf32>
    %gt3A_69 = arith.constant 0.000000e+00 : f32
    %gt3A_70 = vector.broadcast %gt3A_69 : f32 to vector<512x64xf32>
    %gt3A_71 = arith.cmpf ogt, %dot_general3A_68, %gt3A_70 : vector<512x64xf32>
    %exp3A_72 = math.exp %dot_general3A_68 : vector<512x64xf32>
    %sub3A_73 = arith.constant 1.000000e+00 : f32
    %sub3A_74 = vector.broadcast %sub3A_73 : f32 to vector<512x64xf32>
    %sub3A_75 = arith.subf %exp3A_72, %sub3A_74 : vector<512x64xf32>
    %select_n3A_76 = arith.select %gt3A_71, %dot_general3A_68, %sub3A_75 : vector<512x64xi1>, vector<512x64xf32>
    %get3A_77 = arith.constant 3 : index
    %get3A_78 = arith.constant 0 : index
    %get3A_79 = arith.constant 0 : index
    %get3A_80 = vector.load %arg0[%get3A_77, %get3A_78, %get3A_79] : memref<4x512x512xf32, #tpu.memory_space<vmem>>, vector<1x512x512xf32>
    %get3A_81 = vector.shape_cast %get3A_80 : vector<1x512x512xf32> to vector<512x512xf32>
    %get3A_82 = arith.constant 0 : index
    %get3A_83 = arith.constant 192 : index
    %get3A_84 = vector.load %arg1[%get3A_82, %get3A_83] : memref<512x256xf32, #tpu.memory_space<vmem>>, vector<512x64xf32>
    %reduce_max3A_85 = arith.constant dense<0xFF800000> : vector<512xf32>
    %reduce_max3A_86 = vector.multi_reduction <maximumf>, %get3A_81, %reduce_max3A_85 [1] : vector<512x512xf32> to vector<512xf32>
    %broadcast_in_dim3A_87 = vector.shape_cast %reduce_max3A_86 : vector<512xf32> to vector<512x1xf32>
    %sub3A_88 = vector.broadcast %broadcast_in_dim3A_87 : vector<512x1xf32> to vector<512x512xf32>
    %sub3A_89 = arith.subf %get3A_81, %sub3A_88 : vector<512x512xf32>
    %exp3A_90 = math.exp %sub3A_89 : vector<512x512xf32>
    %reduce_sum3A_91 = arith.constant dense<0.000000e+00> : vector<512xf32>
    %reduce_sum3A_92 = vector.multi_reduction <add>, %exp3A_90, %reduce_sum3A_91 [1] : vector<512x512xf32> to vector<512xf32>
    %broadcast_in_dim3A_93 = vector.shape_cast %reduce_sum3A_92 : vector<512xf32> to vector<512x1xf32>
    %div3A_94 = vector.broadcast %broadcast_in_dim3A_93 : vector<512x1xf32> to vector<512x512xf32>
    %div3A_95 = arith.divf %exp3A_90, %div3A_94 : vector<512x512xf32>
    %dot_general3A_96 = arith.constant dense<0.000000e+00> : vector<512x64xf32>
    %dot_general3A_97 = tpu.matmul %div3A_95, %get3A_84, %dot_general3A_96 {dimension_numbers = #tpu.dot_dimension_numbers<[1], [0], [0], [1], [0, 0, 1, 1], [], []>, transpose_lhs_hint = false} : vector<512x512xf32>, vector<512x64xf32>, vector<512x64xf32> -> vector<512x64xf32>
    %gt3A_98 = arith.constant 0.000000e+00 : f32
    %gt3A_99 = vector.broadcast %gt3A_98 : f32 to vector<512x64xf32>
    %gt3A_100 = arith.cmpf ogt, %dot_general3A_97, %gt3A_99 : vector<512x64xf32>
    %exp3A_101 = math.exp %dot_general3A_97 : vector<512x64xf32>
    %sub3A_102 = arith.constant 1.000000e+00 : f32
    %sub3A_103 = vector.broadcast %sub3A_102 : f32 to vector<512x64xf32>
    %sub3A_104 = arith.subf %exp3A_101, %sub3A_103 : vector<512x64xf32>
    %select_n3A_105 = arith.select %gt3A_100, %dot_general3A_97, %sub3A_104 : vector<512x64xi1>, vector<512x64xf32>
    %concatenate3A = tpu.concatenate %select_n3A, %select_n3A_47, %select_n3A_76, %select_n3A_105 in 1 : vector<512x64xf32>, vector<512x64xf32>, vector<512x64xf32>, vector<512x64xf32> -> vector<512x256xf32>
    %get3A_106 = arith.constant 0 : index
    %get3A_107 = arith.constant 0 : index
    %get3A_108 = vector.load %arg2[%get3A_106, %get3A_107] : memref<128x256xf32, #tpu.memory_space<vmem>>, vector<128x256xf32>
    %dot_general3A_109 = arith.constant dense<0.000000e+00> : vector<512x128xf32>
    %dot_general3A_110 = tpu.matmul %concatenate3A, %get3A_108, %dot_general3A_109 {dimension_numbers = #tpu.dot_dimension_numbers<[1], [1], [0], [0], [0, 0, 1, 0], [], []>, transpose_lhs_hint = false} : vector<512x256xf32>, vector<128x256xf32>, vector<512x128xf32> -> vector<512x128xf32>
    %swap3A = arith.constant 0 : index
    %swap3A_111 = arith.constant 0 : index
    %swap3A_112 = vector.load %arg4[%swap3A, %swap3A_111] : memref<512x128xf32, #tpu.memory_space<vmem>>, vector<512x128xf32>
    tpu.vector_store %arg4[%swap3A, %swap3A_111], %dot_general3A_110 {strides = array<i32>} : memref<512x128xf32, #tpu.memory_space<vmem>>, vector<512x128xf32>,
    %get3A_113 = arith.constant 0 : index
    %get3A_114 = arith.constant 0 : index
    %get3A_115 = vector.load %arg3[%get3A_113, %get3A_114] : memref<1x256xf32, #tpu.memory_space<vmem>>, vector<1x128xf32>
    %get3A_116 = vector.shape_cast %get3A_115 : vector<1x128xf32> to vector<128xf32>
    %dot_general3A_117 = arith.constant dense<0.000000e+00> : vector<512xf32>
    %dot_general3A_118 = tpu.matmul %dot_general3A_110, %get3A_116, %dot_general3A_117 {dimension_numbers = #tpu.dot_dimension_numbers<[1], [0], [0], [], [0, 0], [], []>, transpose_lhs_hint = false} : vector<512x128xf32>, vector<128xf32>, vector<512xf32> -> vector<512xf32>
    %swap3A_119 = arith.constant 0 : index
    %swap3A_120 = arith.constant 0 : index
    %swap3A_121 = vector.load %arg5[%swap3A_119, %swap3A_120] : memref<1x512xf32, #tpu.memory_space<vmem>>, vector<1x512xf32>
    %swap3A_122 = vector.shape_cast %swap3A_121 : vector<1x512xf32> to vector<512xf32>
    %swap3A_123 = vector.shape_cast %dot_general3A_118 : vector<512xf32> to vector<1x512xf32>
    tpu.vector_store %arg5[%swap3A_119, %swap3A_120], %swap3A_123 {strides = array<i32>} : memref<1x512xf32, #tpu.memory_space<vmem>>, vector<1x512xf32>,
    %get3A_124 = arith.constant 0 : index
    %get3A_125 = arith.constant 128 : index
    %get3A_126 = vector.load %arg3[%get3A_124, %get3A_125] : memref<1x256xf32, #tpu.memory_space<vmem>>, vector<1x128xf32>
    %get3A_127 = vector.shape_cast %get3A_126 : vector<1x128xf32> to vector<128xf32>
    %dot_general3A_128 = arith.constant dense<0.000000e+00> : vector<512xf32>
    %dot_general3A_129 = tpu.matmul %dot_general3A_110, %get3A_127, %dot_general3A_128 {dimension_numbers = #tpu.dot_dimension_numbers<[1], [0], [0], [], [0, 0], [], []>, transpose_lhs_hint = false} : vector<512x128xf32>, vector<128xf32>, vector<512xf32> -> vector<512xf32>
    %swap3A_130 = arith.constant 0 : index
    %swap3A_131 = arith.constant 0 : index
    %swap3A_132 = vector.load %arg6[%swap3A_130, %swap3A_131] : memref<1x512xf32, #tpu.memory_space<vmem>>, vector<1x512xf32>
    %swap3A_133 = vector.shape_cast %swap3A_132 : vector<1x512xf32> to vector<512xf32>
    %swap3A_134 = vector.shape_cast %dot_general3A_129 : vector<512xf32> to vector<1x512xf32>
    tpu.vector_store %arg6[%swap3A_130, %swap3A_131], %swap3A_134 {strides = array<i32>} : memref<1x512xf32, #tpu.memory_space<vmem>>, vector<1x512xf32>,
    %get3A_135 = arith.constant 0 : index
    %get3A_136 = arith.constant 0 : index
    %get3A_137 = vector.load %arg3[%get3A_135, %get3A_136] : memref<1x256xf32, #tpu.memory_space<vmem>>, vector<1x256xf32>
    %reduce_sum3A_138 = arith.constant dense<0.000000e+00> : vector<1xf32>
    %reduce_sum3A_139 = vector.multi_reduction <add>, %get3A_137, %reduce_sum3A_138 [1] : vector<1x256xf32> to vector<1xf32>
    %broadcast_in_dim3A_140 = vector.shape_cast %reduce_sum3A_139 : vector<1xf32> to vector<1x1xf32>
    %mul3A = arith.constant -9.000000e+15 : f32
    %mul3A_141 = vector.broadcast %mul3A : f32 to vector<1x1xf32>
    %mul3A_142 = arith.mulf %mul3A_141, %broadcast_in_dim3A_140 : vector<1x1xf32>
    %ge3A = arith.constant 0.000000e+00 : f32
    %ge3A_143 = vector.broadcast %ge3A : f32 to vector<1x1xf32>
    %ge3A_144 = arith.cmpf oge, %mul3A_142, %ge3A_143 : vector<1x1xf32>
    %mul3A_145 = arith.constant 2.000000e-01 : f32
    %mul3A_146 = vector.broadcast %mul3A_145 : f32 to vector<1x1xf32>
    %mul3A_147 = arith.mulf %mul3A_146, %mul3A_142 : vector<1x1xf32>
    %select_n3A_148 = arith.select %ge3A_144, %mul3A_142, %mul3A_147 : vector<1x1xi1>, vector<1x1xf32>
    %broadcast_in_dim3A_149 = vector.shape_cast %select_n3A_148 : vector<1x1xf32> to vector<1x1xf32>
    %broadcast_in_dim3A_150 = vector.broadcast %broadcast_in_dim3A_149 : vector<1x1xf32> to vector<1x16xf32>
    %swap3A_151 = arith.constant 0 : index
    %swap3A_152 = arith.constant 0 : index
    %swap3A_153 = vector.load %arg7[%swap3A_151, %swap3A_152] : memref<1x16xf32, #tpu.memory_space<vmem>>, vector<1x16xf32>
    tpu.vector_store %arg7[%swap3A_151, %swap3A_152], %broadcast_in_dim3A_150 {strides = array<i32>} : memref<1x16xf32, #tpu.memory_space<vmem>>, vector<1x16xf32>,
    return
  }
}

</mosaic_0001>

<sc_bundles>
// kernel: kernel.10.cloned.1.call-start
scs
__scs_entry_jumppad:
0x0: {  	(pc) =	sbr.rel $0x88, $3  }
0x1: {  	(tag) =	ssettag $0x0;
	lr =	simm.s32 $0x1  }
0x2: {  	[smem:$0x3F9B] =	sst lr;
	_ =	strace $0xD0000000  }
0x3: {  	_ = 	snop  }
0x4: {  	_ = 	snop  }
0x5: {  	_ = 	snop  }
0x6: {  	_ = 	snop  }
0x7: {  	_ = 	snop  }
__scs_overlays_trampoline_lowered:
0x8: {  	[smem:$0x3FAA] =	sst s0  }
0x9: {  	[smem:$0x3FAB] =	sst s1  }
0xa: {  	[smem:$0x3FAC] =	sst s2  }
0xb: {  	[smem:$0x3FAD] =	sst s3  }
0xc: {  	[smem:$0x3FAE] =	sst s4  }
0xd: {  	[smem:$0x3FAF] =	sst s5  }
0xe: {  	[smem:$0x3FB0] =	sst s6  }
0xf: {  	[smem:$0x3FB1] =	sst s7  }
0x10: {  	[smem:$0x3FB2] =	sst s8  }
0x11: {  	[smem:$0x3FB3] =	sst s9;
	s0 =	simm.s32 @!p0 $0x0  }
0x12: {  	s1 =	sld [smem:$0x3F99];
	s0 =	simm.s32 @p0 $0x1  }
0x13: {  	[smem:$0x3FB4] =	sst s0;
	s0 =	simm.s32 @!p1 $0x0  }
0x14: {  	s2 =	sld [smem:$0x3F98];
	s0 =	simm.s32 @p1 $0x1  }
0x15: {  	[smem:$0x3FB5] =	sst s0;
	s0 =	simm.s32 @!p2 $0x0  }
0x16: {  	s3 =	sld [smem:$0x3FDB];
	s0 =	simm.s32 @p2 $0x1  }
0x17: {  	s4 =	simm.s32 $0x1BF5;
	[smem:$0x3FB7] =	sst s0  }
0x18: {  	s0 =	sld [smem:$0x3F9A];
	_ =	swait.ge [sflag:s4], $0x0  }
0x19: {  	s7 =	sld [smem:$0x3F9B]  }
0x1a: {  	s8 =	sadd.s32 $0xFFFFE003, lr  }
0x1b: {  	s9 =	sadd.s32 $0xFFFFFEF7, lr;
	s5 =	simm.s32 $0xFFFFFFFF;
	p2 =	slt.u32 s8, $0xFFFFF086  }
0x1c: {  	p1 =	slt.u32 s9, $0xF7A;
	s5 =	simm.s32 @!p2 $0x0  }
0x1d: {  	s5 =	simm.s32 @p1 $0x1;
	p0 =	seq.s32 s7, s2  }
0x1e: {  	s7 =	smul.u32 @!p0 $0xF7A, s2;
	p2 =	seq.s32 @!p0 s5, $0x0  }
0x1f: {  	s9 =	smul.u32 $0xF7A, s1;
	s8 =	simm.s32 @!p0 $0x1BF5;
	p2 =	por !p2, p0  }
0x20: {  	[sflag:s8] =	ssyncset.s32 @!p0 $0xFFFFF086;
	s6 =	sadd.s32 @!p0 s3, s7;
	s7 =	simm.s32 @!p0 $0x108  }
0x21: {  	s3 =	sadd.s32 s3, s9;
	s6 =	sadd.s32 @!p0 $0x88, s6;
	s7 =	simm.s32 @p2 $0x1082  }
0x22: {  	[simem:s7], [sflag:s8] =	dma.local @!p0 [hbm:s6], $0xF7A  }
0x23: {  	s9 =	sor.u32 $0xD0000000, s2;
	s6 =	simm.s32 $0x108;
	_ =	swait.ge @!p0 [sflag:s8], $0x0  }
0x24: {  	s3 =	sadd.s32 $0x88, s3;
	s6 =	simm.s32 @!p1 $0x1082;
	[sflag:s4] =	ssyncset.s32 $0xFFFFF086  }
0x25: {  	[simem:s6], [sflag:s4] =	dma.local [hbm:s3], $0xF7A  }
0x26: {  	[smem:$0x3F9B] =	sst s1;
	(tag) =	ssettag s2;
	_ =	strace s9  }
0x27: {  	s1 =	sld [smem:$0x3FAB]  }
0x28: {  	s2 =	sld [smem:$0x3FAC]  }
0x29: {  	s4 =	sld [smem:$0x3FAE]  }
0x2a: {  	p0 =	seq.s32 s5, $0x0;
	s5 =	sld [smem:$0x3FAF]  }
0x2b: {  	s6 =	sld [smem:$0x3FB0]  }
0x2c: {  	s7 =	sld [smem:$0x3FB1]  }
0x2d: {  	s3 =	simm.s32 $0x108;
	s8 =	sld [smem:$0x3FB2]  }
0x2e: {  	s3 =	simm.s32 @!p0 $0x1082;
	s9 =	sld [smem:$0x3FB3]  }
0x2f: {  	lr =	sadd.s32 s0, s3;
	s0 =	sld [smem:$0x3FAA]  }
0x30: {  	s3 =	sld [smem:$0x3FAD]  }
0x31: {  	[smem:$0x3FB6] =	sst s10  }
0x32: {  	s10 =	sld [smem:$0x3FB4];
	_ =	sdelay $0x3  }
0x33: {  	p0 =	seq.s32 s10, $0x1;
	s10 =	sld [smem:$0x3FB6];
	_ =	sdelay $0x3  }
0x34: {  	[smem:$0x3FB6] =	sst s10  }
0x35: {  	s10 =	sld [smem:$0x3FB5];
	_ =	sdelay $0x3  }
0x36: {  	p1 =	seq.s32 s10, $0x1;
	s10 =	sld [smem:$0x3FB6];
	_ =	sdelay $0x3  }
0x37: {  	[smem:$0x3FB6] =	sst s10  }
0x38: {  	s10 =	sld [smem:$0x3FB7]  }
0x39: {  	_ = 	snop;
	(pc) =	sbr.ind lr, $3  }
0x3a: {  	_ = 	snop  }
0x3b: {  	_ = 	snop  }
0x3c: {  	p2 =	seq.s32 s10, $0x1;
	s10 =	sld [smem:$0x3FB6]  }
0x3d: {  	_ =	shalt  }
0x3e: {  	_ =	shalt  }
0x3f: {  	_ =	shalt  }
0x40: {  	_ =	shalt  }
0x41: {  	_ =	shalt  }
0x42: {  	_ =	shalt  }
0x43: {  	_ =	shalt  }
0x44: {  	_ =	shalt  }
0x45: {  	_ =	shalt  }
0x46: {  	_ =	shalt  }
0x47: {  	_ =	shalt  }
0x48: {  	_ =	shalt  }
0x49: {  	_ =	shalt  }
0x4a: {  	_ =	shalt  }
0x4b: {  	_ =	shalt  }
0x4c: {  	_ =	shalt  }
0x4d: {  	_ =	shalt  }
0x4e: {  	_ =	shalt  }
0x4f: {  	_ =	shalt  }
0x50: {  	_ =	shalt  }
0x51: {  	_ =	shalt  }
0x52: {  	_ =	shalt  }
0x53: {  	_ =	shalt  }
0x54: {  	_ =	shalt  }
0x55: {  	_ =	shalt  }
0x56: {  	_ =	shalt  }
0x57: {  	_ =	shalt  }
0x58: {  	_ =	shalt  }
0x59: {  	_ =	shalt  }
0x5a: {  	_ =	shalt  }
0x5b: {  	_ =	shalt  }
0x5c: {  	_ =	shalt  }
0x5d: {  	_ =	shalt  }
0x5e: {  	_ =	shalt  }
0x5f: {  	_ =	shalt  }
0x60: {  	_ =	shalt  }
0x61: {  	_ =	shalt  }
0x62: {  	_ =	shalt  }
0x63: {  	_ =	shalt  }
0x64: {  	_ =	shalt  }
0x65: {  	_ =	shalt  }
0x66: {  	_ =	shalt  }
0x67: {  	_ =	shalt  }
0x68: {  	_ =	shalt  }
0x69: {  	_ =	shalt  }
0x6a: {  	_ =	shalt  }
0x6b: {  	_ =	shalt  }
0x6c: {  	_ =	shalt  }
0x6d: {  	_ =	shalt  }
0x6e: {  	_ =	shalt  }
0x6f: {  	_ =	shalt  }
0x70: {  	_ =	shalt  }
0x71: {  	_ =	shalt  }
0x72: {  	_ =	shalt  }
0x73: {  	_ =	shalt  }
0x74: {  	_ =	shalt  }
0x75: {  	_ =	shalt  }
0x76: {  	_ =	shalt  }
0x77: {  	_ =	shalt  }
0x78: {  	_ =	shalt  }
0x79: {  	_ =	shalt  }
0x7a: {  	_ =	shalt  }
0x7b: {  	_ =	shalt  }
0x7c: {  	_ =	shalt  }
0x7d: {  	_ =	shalt  }
0x7e: {  	_ =	shalt  }
0x7f: {  	_ =	shalt  }
0x80: {  	_ =	shalt  }
0x81: {  	_ =	shalt  }
0x82: {  	_ =	shalt  }
0x83: {  	_ =	shalt  }
0x84: {  	_ =	shalt  }
0x85: {  	_ =	shalt  }
0x86: {  	_ =	shalt  }
0x87: {  	_ =	shalt  }
.Lfunc_end0:
.L_simem_size_0:
called_computation.1_lowered:
.L_overlay_start_0:
0x88: {  	s2 =	sld [smem:$0x3FD9]  }
0x89: {  	s3 =	sld [smem:$0x3FFE];
	_ =	sdelay $0x1  }
0x8a: {  	s1 =	srdreg.scid  }
0x8b: {  	s0 =	sand.u32 $0x1, s1  }
0x8c: {  	s17 =	sshll.u32 s0, $0xA;
	s2 =	sadd.s32 s3, s2  }
0x8d: {  	s2 =	sadd.s32 s2, s17  }
0x8e: {  	[smem:$0x3FC2] =	sst s2  }
0x8f: {  	_ = 	snop  }
0x90: {  	s2 =	sld [smem:$0x3FD0];
	(tm) =	ssettm $0x1  }
0x91: {  	s18 =	sld [smem:$0x3FFB];
	_ =	sdelay $0x3  }
0x92: {  	_ =	strace s18  }
0x93: {  	s3 =	sld [smem:$0x3FFC];
	_ =	sdelay $0x3  }
0x94: {  	_ =	strace s3  }
0x95: {  	s3 =	sld [smem:$0x3FFD];
	_ =	sdelay $0x3  }
0x96: {  	_ =	strace s3  }
0x97: {  	_ =	strace $0x8FFFFFFF  }
0x98: {  	s19 =	sld [smem:$0x3FDB];
	_ =	sdelay $0x1  }
0x99: {  	s4 =	simm.s32 $_scs_section_size  }
0x9a: {  	s5 =	simm.s32 $_size__tile_overlayer_lowered;
	s6 =	simm.s32 $_tile_overlayer_lowered  }
0x9b: {  	s22 =	simm.s32 $0x1BFF;
	s21 =	sshll.u32 s6, $0x1;
	s3 =	sadd.s32 s4, s19  }
0x9c: {  	s7 =	simm.s32 $0x0;
	s20 =	sshll.u32 s5, $0x1;
	s5 =	sadd.s32 s21, s3  }
0x9d: {  	[timem:s7], [sflag:s22] =	dma.local [hbm:s5], s20  }
0x9e: {  	_ =	swait.ge [sflag:s22], s20  }
0x9f: {  	s4 =	ssub.s32 $0x0, s20;
	[sflag:s22] =	ssyncset.done $0x0  }
0xa0: {  	[sflag:s22] =	ssyncadd.s32 s4;
	_ =	sdelay $0x1  }
0xa1: {  	s23 =	simm.s32 $0x1B8B  }
0xa2: {  	_ =	swait.ge [sflag:s23], $0x1  }
0xa3: {  	[sflag:s23] =	ssyncset.done $0x0  }
0xa4: {  	s25 =	simm.s32 $0x1B8E;
	s24 =	sld [smem:$0x3FFE];
	[sflag:s23] =	ssyncadd.s32 $0xFFFFFFFF  }
0xa5: {  	s26 =	simm.s32 $execute0_lowered;
	[smem:$0x3FD2] =	sst s25  }
0xa6: {  	s5 =	sshll.u32 s26, $0x1;
	_ =	strace $0x80000049;
	[dreg:$0x1] =	wrdreg $0xFFFFFFFF  }
0xa7: {  	s28 =	simm.s32 $_size_execute0_lowered;
	s3 =	sadd.s32 s3, s5;
	[dreg:$0x0] =	wrdreg $0x0  }
0xa8: {  	s5 =	sshll.u32 s28, $0x1;
	[dreg:$0x2] =	wrdreg s3  }
0xa9: {  	[dreg:$0x3] =	wrdreg s5  }
0xaa: {  	[dreg:$0x4] =	wrdreg $0xC0  }
0xab: {  	_ =	task [dreg:s7], $0x5FFFF  }
0xac: {  	[dreg:$0x1] =	wrdreg $0xFFFFFFFF  }
0xad: {  	[dreg:$0x0] =	wrdreg $0x60  }
0xae: {  	[dreg:$0x2] =	wrdreg s24  }
0xaf: {  	[dreg:$0x3] =	wrdreg s2  }
0xb0: {  	[dreg:$0x4] =	wrdreg $0x9  }
0xb1: {  	_ =	task.clear_ibuf [dreg:s7], $0x5FFFF;
	_ =	strace $0x90000049  }
0xb2: {  	s29 =	simm.s32 $0x9;
	_ =	strace $0x8000004B  }
0xb3: {  	_ =	swait.ge [sflag:s29], $0x1  }
0xb4: {  	[sflag:s29] =	ssyncadd.s32 $0xFFFFFFFF  }
0xb5: {  	_ =	strace $0x9000004B  }
0xb6: {  	_ =	sfence  }
0xb7: {  	s30 =	sld [smem:$0x0];
	_ =	sdelay $0x2  }
0xb8: {  	s31 =	sshll.u32 s1, $0xD;
	s1 =	sshrl.u32 s1, $0x2  }
0xb9: {  	s3 =	sand.u32 $0x4000, s31;
	s1 =	sadd.s32 s1, s30  }
0xba: {  	s0 =	sor.u32 s3, s0;
	s1 =	sshll.u32 s1, $0x11  }
0xbb: {  	s0 =	sor.u32 s1, s0  }
0xbc: {  	s0 =	sadd.s32 $0x8F2B, s0  }
0xbd: {  	[sflag:s0] =	ssyncadd.remote.s32 $0x1  }
0xbe: {  	_ =	sfence.sel $0xFFFF  }
0xbf: {  	[dreg:$0x0] =	wrdreg $0xFFFFFFFF;
	(pc) =	sbr.abs _section_cstart, $3  }
0xc0: {  	[dreg:$0x1] =	wrdreg $0xFFFFFFFF  }
0xc1: {  	_ =	task.clear_ibuf [dreg:s7], $0x2FFFF;
	_ =	strace $0x9FFFFFFF  }
0xc2: {  	(tm) =	ssettm $0x7FFFFFFF  }
0xc3: {  	_ =	shalt  }
tec
execute0_lowered:
.L_overlay_start_1:
0x0: {  	(tag) =	ssettag $0x1  }
0x1: {  	s0 =	rddreg [dreg:$0x0]  }
0x2: {  	s2 =	simm.s32 $0x0;
	s6 =	srdreg.scid;
	s1 =	stileid.u32  }
0x3: {  	s12 =	simm.s32 $0x4000;
	s13 =	simm.s32 $0x4200;
	s15 =	simm.s32 $0x4480  }
0x4: {  	s16 =	simm.s32 $0x0;
	[smem:$0x7FF] =	sst s2;
	s4 =	sadd.s32 $0x2600, s0  }
0x5: {  	s5 =	sadd.s32 $0x2800, s0;
	s7 =	sand.u32 $0x1, s6;
	s8 =	sshll.u32 s1, $0x1  }
0x6: {  	s6 =	sadd.s32 $0x2200, s0;
	_ =	strace $0x8000004A;
	s8 =	sor.u32 s7, s8  }
0x7: {  	s9 =	ssub.s32 $0x2, s7;
	s7 =	sadd.s32 $0x2A00, s0;
	s10 =	sshll.u32 s8, $0xA  }
0x8: {  	s11 =	sshrl.u32 s9, $0x1;
	s14 =	sshll.u32 s8, $0x4;
	s0 =	sadd.s32 s10, s0  }
0x9: {  	s9 =	ssub.s32 s9, s11;
	s10 =	simm.s32 $0x1;
	s11 =	simm.s32 $0x2000  }
0xa: {  	v0 =	vmov s14;
	s14 =	simm.s32 $0x4400;
	s8 =	sadd.s32 $0x2C00, s0;
	s9 =	smax.u32 s9, $0x1  }
.LBB2_1:
0xb: {  	[tilespmem:s2], [sflag:$0x1] =	stream.linear.gather [hbm4b:s6+s2], $0x2000, $0x38;
	[tilespmem:$0x6480] =	vst v63  }
0xc: {  	_ =	swait.ge [sflag:s10], $0x2000  }
0xd: {  	[sflag:s10] =	ssyncset.done $0x0  }
0xe: {  	[sflag:s10] =	ssyncadd.s32 $0xFFFFE000  }
0xf: {  	s0 =	rddreg [dreg:$0x1]  }
0x10: {  	[tilespmem:s11], [sflag:$0x1] =	stream.linear.gather [hbm4b:s0+s2], $0x2000, $0x38;
	[tilespmem:$0x6480] =	vst v63  }
0x11: {  	_ =	swait.ge [sflag:s10], $0x2000  }
0x12: {  	[sflag:s10] =	ssyncset.done $0x0  }
0x13: {  	[sflag:s10] =	ssyncadd.s32 $0xFFFFE000  }
0x14: {  	[tilespmem:s12], [sflag:$0x1] =	stream.linear.gather [hbm4b:s4+s2], $0x200, $0x38;
	[tilespmem:$0x6480] =	vst v63  }
0x15: {  	_ =	swait.ge [sflag:s10], $0x200  }
0x16: {  	[sflag:s10] =	ssyncset.done $0x0  }
0x17: {  	[sflag:s10] =	ssyncadd.s32 $0xFFFFFE00  }
0x18: {  	[tilespmem:s13], [sflag:$0x1] =	stream.linear.gather [hbm4b:s5+s2], $0x200, $0x38;
	[tilespmem:$0x6480] =	vst v63  }
0x19: {  	_ =	swait.ge [sflag:s10], $0x200  }
0x1a: {  	[sflag:s10] =	ssyncset.done $0x0  }
0x1b: {  	[sflag:s10] =	ssyncadd.s32 $0xFFFFFE00  }
0x1c: {  	[tilespmem:s14], [sflag:$0x1] =	stream.linear.gather [hbm4b:s7+s2], $0x10, $0x38;
	[tilespmem:$0x6480] =	vst v63  }
0x1d: {  	_ =	swait.ge [sflag:s10], $0x10  }
0x1e: {  	[sflag:s10] =	ssyncset.done $0x0  }
0x1f: {  	[sflag:s10] =	ssyncadd.s32 $0xFFFFFFF0  }
0x20: {  	v1 =	vld [tilespmem:$0x4400];
	_ =	sdelay $0x2  }
0x21: {  	s18 =	sand.u32 $0x1000, s2;
	s17 =	sand.u32 $0x300, s2  }
0x22: {  	s0 =	sor.u32 s17, s18  }
0x23: {  	[tilespmem:s0+$0x4500] =	vst v1  }
0x24: {  	[tilespmem:s0+$0x4510] =	vst v1  }
0x25: {  	[tilespmem:s0+$0x4520] =	vst v1  }
0x26: {  	[tilespmem:s0+$0x4530] =	vst v1  }
0x27: {  	[tilespmem:s0+$0x4540] =	vst v1  }
0x28: {  	[tilespmem:s0+$0x4550] =	vst v1  }
0x29: {  	[tilespmem:s0+$0x4560] =	vst v1  }
0x2a: {  	[tilespmem:s0+$0x4570] =	vst v1  }
0x2b: {  	[tilespmem:s0+$0x4900] =	vst v1  }
0x2c: {  	[tilespmem:s0+$0x4910] =	vst v1  }
0x2d: {  	[tilespmem:s0+$0x4920] =	vst v1  }
0x2e: {  	[tilespmem:s0+$0x4930] =	vst v1  }
0x2f: {  	[tilespmem:s0+$0x4940] =	vst v1  }
0x30: {  	[tilespmem:s0+$0x4950] =	vst v1  }
0x31: {  	[tilespmem:s0+$0x4960] =	vst v1  }
0x32: {  	[tilespmem:s0+$0x4970] =	vst v1  }
0x33: {  	[tilespmem:s0+$0x4D00] =	vst v1  }
0x34: {  	[tilespmem:s0+$0x4D10] =	vst v1  }
0x35: {  	[tilespmem:s0+$0x4D20] =	vst v1  }
0x36: {  	[tilespmem:s0+$0x4D30] =	vst v1  }
0x37: {  	[tilespmem:s0+$0x4D40] =	vst v1  }
0x38: {  	[tilespmem:s0+$0x4D50] =	vst v1  }
0x39: {  	[tilespmem:s0+$0x4D60] =	vst v1  }
0x3a: {  	[tilespmem:s0+$0x4D70] =	vst v1  }
0x3b: {  	[tilespmem:s0+$0x4480] =	vst v1  }
0x3c: {  	[tilespmem:s0+$0x4490] =	vst v1  }
0x3d: {  	[tilespmem:s0+$0x44A0] =	vst v1  }
0x3e: {  	[tilespmem:s0+$0x44B0] =	vst v1  }
0x3f: {  	[tilespmem:s0+$0x44C0] =	vst v1  }
0x40: {  	[tilespmem:s0+$0x44D0] =	vst v1  }
0x41: {  	[tilespmem:s0+$0x44E0] =	vst v1  }
0x42: {  	[tilespmem:s0+$0x44F0] =	vst v1  }
0x43: {  	[tilespmem:s0+$0x4880] =	vst v1  }
0x44: {  	[tilespmem:s0+$0x4890] =	vst v1  }
0x45: {  	[tilespmem:s0+$0x48A0] =	vst v1  }
0x46: {  	[tilespmem:s0+$0x48B0] =	vst v1  }
0x47: {  	[tilespmem:s0+$0x48C0] =	vst v1  }
0x48: {  	[tilespmem:s0+$0x48D0] =	vst v1  }
0x49: {  	[tilespmem:s0+$0x48E0] =	vst v1  }
0x4a: {  	s19 =	sand.u32 $0x3, s2;
	[tilespmem:s0+$0x48F0] =	vst v1  }
0x4b: {  	s17 =	sshll.u32 s19, $0x8;
	[tilespmem:s0+$0x4C80] =	vst v1  }
0x4c: {  	s17 =	sadd.s32 $0x0, s17;
	[tilespmem:s0+$0x4C90] =	vst v1  }
0x4d: {  	s18 =	sadd.s32 $0x80, s17;
	[tilespmem:s0+$0x4CA0] =	vst v1  }
0x4e: {  	s19 =	sor.u32 $0xC00, s18;
	[tilespmem:s0+$0x4CB0] =	vst v1  }
0x4f: {  	s26 =	sor.u32 $0xC00, s17;
	[tilespmem:s19+$0x4480] =	vst v1  }
0x50: {  	s20 =	sor.u32 $0xC10, s18;
	[tilespmem:s26+$0x4480] =	vst v1  }
0x51: {  	[tilespmem:s20+$0x4480] =	vst v1  }
0x52: {  	[tilespmem:s0+$0x4CC0] =	vst v1  }
0x53: {  	[tilespmem:s0+$0x4CD0] =	vst v1  }
0x54: {  	[tilespmem:s0+$0x4CE0] =	vst v1  }
0x55: {  	s21 =	sor.u32 $0xC20, s18;
	[tilespmem:s0+$0x4CF0] =	vst v1  }
0x56: {  	s28 =	sor.u32 $0xC10, s17;
	[tilespmem:s21+$0x4480] =	vst v1  }
0x57: {  	s22 =	sor.u32 $0xC30, s18;
	[tilespmem:s28+$0x4480] =	vst v1  }
0x58: {  	s29 =	sor.u32 $0xC20, s17;
	[tilespmem:s22+$0x4480] =	vst v1  }
0x59: {  	s23 =	sor.u32 $0xC40, s18;
	[tilespmem:s29+$0x4480] =	vst v1  }
0x5a: {  	s30 =	sor.u32 $0xC30, s17;
	[tilespmem:s23+$0x4480] =	vst v1  }
0x5b: {  	s24 =	sor.u32 $0xC50, s18;
	[tilespmem:s30+$0x4480] =	vst v1  }
0x5c: {  	s20 =	sor.u32 $0xC40, s17;
	[tilespmem:s24+$0x4480] =	vst v1  }
0x5d: {  	s31 =	sor.u32 $0xC50, s17;
	s25 =	sor.u32 $0xC60, s18;
	[tilespmem:s20+$0x4480] =	vst v1  }
0x5e: {  	s18 =	sor.u32 $0xC70, s18;
	s19 =	simm.s32 $0x0;
	s21 =	simm.s32 $0x400;
	[tilespmem:s25+$0x4480] =	vst v1  }
0x5f: {  	s22 =	simm.s32 $0x0;
	s24 =	sor.u32 $0xC70, s17;
	s20 =	simm.s32 $0x100;
	[tilespmem:s31+$0x4480] =	vst v1  }
0x60: {  	s25 =	sor.u32 $0xC60, s17;
	s17 =	simm.s32 $0x2020;
	[tilespmem:s18+$0x4480] =	vst v1;
	s18 =	simm.s32 $0x20  }
.LBB2_2:
0x61: {  	s0 =	sand.u32 $0x1000, s21;
	s23 =	sand.u32 $0x300, s20;
	[tilespmem:s25+$0x4480] =	vst v1  }
0x62: {  	s23 =	sor.u32 s23, s0;
	[tilespmem:s24+$0x4480] =	vst v1  }
0x63: {  	[tilespmem:s23+$0x4500] =	vst v1  }
0x64: {  	[tilespmem:s23+$0x4510] =	vst v1  }
0x65: {  	[tilespmem:s23+$0x4520] =	vst v1  }
0x66: {  	[tilespmem:s23+$0x4530] =	vst v1  }
0x67: {  	[tilespmem:s23+$0x4540] =	vst v1  }
0x68: {  	[tilespmem:s23+$0x4550] =	vst v1  }
0x69: {  	[tilespmem:s23+$0x4560] =	vst v1  }
0x6a: {  	[tilespmem:s23+$0x4570] =	vst v1  }
0x6b: {  	[tilespmem:s23+$0x4900] =	vst v1  }
0x6c: {  	[tilespmem:s23+$0x4910] =	vst v1  }
0x6d: {  	[tilespmem:s23+$0x4920] =	vst v1  }
0x6e: {  	[tilespmem:s23+$0x4930] =	vst v1  }
0x6f: {  	[tilespmem:s23+$0x4940] =	vst v1  }
0x70: {  	[tilespmem:s23+$0x4950] =	vst v1  }
0x71: {  	[tilespmem:s23+$0x4960] =	vst v1  }
0x72: {  	[tilespmem:s23+$0x4970] =	vst v1  }
0x73: {  	[tilespmem:s23+$0x4D00] =	vst v1  }
0x74: {  	[tilespmem:s23+$0x4D10] =	vst v1  }
0x75: {  	s22 =	sadd.s32 $0x1, s22;
	[tilespmem:s23+$0x4D20] =	vst v1  }
0x76: {  	s0 =	sand.u32 $0x3, s22;
	[tilespmem:s23+$0x4D30] =	vst v1  }
0x77: {  	s0 =	sshll.u32 s0, $0x8;
	[tilespmem:s23+$0x4D40] =	vst v1  }
0x78: {  	s24 =	sadd.s32 s0, s21;
	[tilespmem:s23+$0x4D50] =	vst v1  }
0x79: {  	s0 =	sor.u32 $0xC00, s24;
	s26 =	sor.u32 $0xC10, s24;
	s3 =	sadd.s32 $0x80, s24;
	[tilespmem:s23+$0x4D60] =	vst v1  }
0x7a: {  	s29 =	sor.u32 $0xC20, s24;
	s28 =	sor.u32 $0xC30, s24;
	s25 =	sor.u32 $0xC00, s3;
	[tilespmem:s23+$0x4D70] =	vst v1  }
0x7b: {  	s31 =	sor.u32 $0xC40, s24;
	s30 =	sor.u32 $0xC50, s24;
	s1 =	sor.u32 $0xC10, s3;
	[tilespmem:s25+$0x4480] =	vst v1  }
0x7c: {  	s25 =	sor.u32 $0xC60, s24;
	s24 =	sor.u32 $0xC70, s24;
	[tilespmem:s1+$0x4480] =	vst v1;
	s1 =	sor.u32 $0xC20, s3  }
0x7d: {  	s19 =	sadd.s32 $0x2, s19;
	[tilespmem:s1+$0x4480] =	vst v1;
	s1 =	sor.u32 $0xC30, s3  }
0x7e: {  	p0 =	slt.u32 s19, $0xE;
	[tilespmem:s1+$0x4480] =	vst v1;
	s1 =	sor.u32 $0xC40, s3  }
0x7f: {  	[tilespmem:s1+$0x4480] =	vst v1;
	s1 =	sor.u32 $0xC50, s3  }
0x80: {  	[tilespmem:s1+$0x4480] =	vst v1;
	s1 =	sor.u32 $0xC60, s3  }
0x81: {  	[tilespmem:s1+$0x4480] =	vst v1;
	s1 =	sor.u32 $0xC70, s3  }
0x82: {  	[tilespmem:s1+$0x4480] =	vst v1  }
0x83: {  	[tilespmem:s23+$0x4480] =	vst v1  }
0x84: {  	[tilespmem:s23+$0x4490] =	vst v1  }
0x85: {  	[tilespmem:s23+$0x44A0] =	vst v1  }
0x86: {  	[tilespmem:s23+$0x44B0] =	vst v1  }
0x87: {  	[tilespmem:s23+$0x44C0] =	vst v1  }
0x88: {  	[tilespmem:s23+$0x44D0] =	vst v1  }
0x89: {  	[tilespmem:s23+$0x44E0] =	vst v1  }
0x8a: {  	[tilespmem:s23+$0x44F0] =	vst v1  }
0x8b: {  	[tilespmem:s23+$0x4880] =	vst v1  }
0x8c: {  	[tilespmem:s23+$0x4890] =	vst v1  }
0x8d: {  	[tilespmem:s23+$0x48A0] =	vst v1  }
0x8e: {  	[tilespmem:s23+$0x48B0] =	vst v1  }
0x8f: {  	[tilespmem:s23+$0x48C0] =	vst v1  }
0x90: {  	[tilespmem:s23+$0x48D0] =	vst v1  }
0x91: {  	[tilespmem:s23+$0x48E0] =	vst v1  }
0x92: {  	[tilespmem:s23+$0x48F0] =	vst v1  }
0x93: {  	[tilespmem:s23+$0x4C80] =	vst v1  }
0x94: {  	[tilespmem:s23+$0x4C90] =	vst v1  }
0x95: {  	[tilespmem:s23+$0x4CA0] =	vst v1  }
0x96: {  	[tilespmem:s23+$0x4CB0] =	vst v1  }
0x97: {  	[tilespmem:s0+$0x4480] =	vst v1  }
0x98: {  	[tilespmem:s23+$0x4CC0] =	vst v1  }
0x99: {  	[tilespmem:s23+$0x4CD0] =	vst v1  }
0x9a: {  	[tilespmem:s23+$0x4CE0] =	vst v1  }
0x9b: {  	[tilespmem:s23+$0x4CF0] =	vst v1  }
.Ltmp0:
0x9c: {  	[tilespmem:s26+$0x4480] =	vst v1;
	(pc) =	sbr.rel @p0 .LBB2_2-.Ltmp0, $4  }
0x9d: {  	[tilespmem:s29+$0x4480] =	vst v1  }
0x9e: {  	[tilespmem:s28+$0x4480] =	vst v1  }
0x9f: {  	[tilespmem:s31+$0x4480] =	vst v1  }
0xa0: {  	s20 =	sadd.s32 $0x100, s20;
	s21 =	sadd.s32 $0x400, s21;
	[tilespmem:s30+$0x4480] =	vst v1  }
0xa1: {  	[tilespmem:s25+$0x4480] =	vst v1  }
0xa2: {  	[tilespmem:s24+$0x4480] =	vst v1  }
0xa3: {  	v5 =	vld [tilespmem:s18+$0x10]  }
0xa4: {  	v6 =	vld [tilespmem:s17+$0x10]  }
0xa5: {  	v7 =	vld [tilespmem:s17+$0xFFFFFFE0]  }
0xa6: {  	v8 =	vld [tilespmem:s18+$0xFFFFFFF0]  }
0xa7: {  	v1 =	vld [tilespmem:s17+$0xFFFFFFF0]  }
0xa8: {  	v3 =	vld [tilespmem:s17+$0x0]  }
0xa9: {  	v10 =	vld [tilespmem:s18+$0xFFFFFFE0];
	_ =	sdelay $0x1  }
0xaa: {  	v9 =	vld [tilespmem:s18+$0x0]  }
0xab: {  	v2 =	vand.u32 $0x7F, v7;
	v4 =	vshll.u32 v7, $0x3  }
0xac: {  	v11 =	vsub.s32 v8, v0;
	v12 =	vsub.s32 v5, v0;
	v14 =	vshll.u32 v1, $0x3;
	v5 =	vld.idx.msk [tilespmem:v5+s12+$0x0], $0xffff  }
0xad: {  	v17 =	vshll.u32 v6, $0x3;
	v19 =	vsub.s32 v10, v0;
	v23 =	vshll.u32 v3, $0x3;
	v13 =	vld.idx.msk [tilespmem:v6+s13+$0x0], $0xffff  }
0xae: {  	v4 =	vand.u32 $0xFFFFFC00, v4;
	vm1 =	vlt.u32 v11, $0x10;
	vm3 =	vlt.u32 v12, $0x10;
	v7 =	vld.idx.msk [tilespmem:v7+s13+$0x0], $0xffff  }
0xaf: {  	v17 =	vand.u32 $0xFFFFFC00, v17;
	vm0 =	vlt.u32 v19, $0x10;
	v12 =	vnsel vm3, $0x0, v12;
	v8 =	vld.idx.msk [tilespmem:v8+s12+$0x0], $0xffff  }
0xb0: {  	v16 =	vnsel vm1, $0x0, v11;
	v11 =	vsub.s32 v9, v0;
	v15 =	vshll.u32 v12, $0x9;
	v18 =	vld.idx.msk [tilespmem:v1+s13+$0x0], $0xffff  }
0xb1: {  	vm2 =	vlt.u32 v11, $0x10;
	v12 =	vshll.u32 v12, $0x7;
	v21 =	vld.idx.msk [tilespmem:v10+s12+$0x0], $0xffff;
	v15 =	vand.u32 $0xFFFFF000, v15  }
0xb2: {  	v9 =	vld.idx.msk [tilespmem:v9+s12+$0x0], $0xffff;
	v12 =	vand.u32 $0x380, v12;
	v22 =	vnsel vm2, $0x0, v11;
	v15 =	vadd.s32 v17, v15  }
0xb3: {  	v6 =	vand.u32 $0x7F, v6;
	v17 =	vld.idx.msk [tilespmem:v3+s13+$0x0], $0xffff;
	v10 =	vshll.u32 v22, $0x9;
	v12 =	vor.u32 v12, v15  }
0xb4: {  	v19 =	vnsel vm0, $0x0, v19;
	v10 =	vand.u32 $0xFFFFF000, v10;
	v20 =	vor.u32 v6, v12  }
0xb5: {  	v6 =	vshll.u32 v16, $0x9;
	v13 =	vadd.f32 v13, v5;
	v5 =	vshll.u32 v19, $0x9  }
0xb6: {  	v15 =	vand.u32 $0xFFFFF000, v6;
	v7 =	vadd.f32 v7, v21;
	v11 =	vand.u32 $0xFFFFF000, v5  }
0xb7: {  	v5 =	vadd.f32 v18, v8;
	v12 =	vmul.f32 $2.000000030e-01, v13;
	vm4 =	vge.f32 v13, $0.0e+00  }
0xb8: {  	v6 =	vadd.f32 v17, v9;
	v17 =	vand.u32 $0xFFFFFC00, v14;
	v14 =	vshll.u32 v22, $0x7  }
0xb9: {  	v9 =	vmul.f32 $2.000000030e-01, v5;
	v8 =	vsel vm4, v13, v12;
	v12 =	vshll.u32 v19, $0x7  }
0xba: {  	s19 =	simm.s32 $0x60;
	s18 =	simm.s32 $0x0;
	v13 =	vshll.u32 v16, $0x7;
	v16 =	vand.u32 $0xFFFFFC00, v23;
	[tilespmem:v20+s15+$0x0] =	vst.idx.msk vm3, v8;
	v8 =	vmul.f32 $2.000000030e-01, v6  }
.LBB2_4:
0xbb: {  	v19 =	vmul.f32 $2.000000030e-01, v7;
	v4 =	vadd.s32 v4, v11  }
0xbc: {  	v18 =	vld [tilespmem:s19+$0x10];
	v11 =	vadd.s32 v17, v15;
	s17 =	sadd.s32 $0x40, s17;
	vm4 =	vmmov vm1;
	vm3 =	vmmov vm2  }
0xbd: {  	s18 =	sadd.s32 $0x4, s18;
	v12 =	vand.u32 $0x380, v12;
	v13 =	vand.u32 $0x380, v13;
	v10 =	vadd.s32 v16, v10;
	v15 =	vld [tilespmem:s17+$0x10]  }
0xbe: {  	vm1 =	vge.f32 v7, $0.0e+00;
	vm2 =	vge.f32 v5, $0.0e+00;
	v14 =	vand.u32 $0x380, v14;
	p0 =	slt.u32 s18, $0x1FC;
	v16 =	vld [tilespmem:s17+$0xFFFFFFE0]  }
0xbf: {  	vm5 =	vge.f32 v6, $0.0e+00;
	v4 =	vor.u32 v12, v4;
	v11 =	vor.u32 v13, v11;
	v17 =	vld [tilespmem:s19+$0xFFFFFFF0]  }
0xc0: {  	v12 =	vand.u32 $0x7F, v1;
	v13 =	vand.u32 $0x7F, v3;
	v10 =	vor.u32 v14, v10;
	v1 =	vld [tilespmem:s17+$0xFFFFFFF0]  }
0xc1: {  	v5 =	vsel vm2, v5, v9;
	v6 =	vsel vm5, v6, v8;
	v7 =	vsel vm1, v7, v19;
	v14 =	vld [tilespmem:s19+$0x0]  }
0xc2: {  	v8 =	vor.u32 v2, v4;
	v9 =	vor.u32 v12, v11;
	v10 =	vor.u32 v13, v10;
	v3 =	vld [tilespmem:s17+$0x0]  }
0xc3: {  	v11 =	vld [tilespmem:s19+$0xFFFFFFE0];
	v2 =	vand.u32 $0x7F, v16;
	v4 =	vshll.u32 v16, $0x3  }
0xc4: {  	v13 =	vsub.s32 v18, v0;
	v4 =	vand.u32 $0xFFFFFC00, v4;
	v12 =	vsub.s32 v17, v0;
	v18 =	vld.idx.msk [tilespmem:v18+s12+$0x0], $0xffff  }
0xc5: {  	vm5 =	vlt.u32 v13, $0x10;
	vm1 =	vlt.u32 v12, $0x10;
	v19 =	vshll.u32 v1, $0x3;
	v20 =	vld.idx.msk [tilespmem:v15+s13+$0x0], $0xffff  }
0xc6: {  	v13 =	vnsel vm5, $0x0, v13;
	v16 =	vld.idx.msk [tilespmem:v16+s13+$0x0], $0xffff;
	v21 =	vnsel vm1, $0x0, v12;
	v12 =	vsub.s32 v14, v0  }
0xc7: {  	v23 =	vshll.u32 v15, $0x3;
	v22 =	vshll.u32 v13, $0x9;
	v17 =	vld.idx.msk [tilespmem:v17+s12+$0x0], $0xffff;
	vm2 =	vlt.u32 v12, $0x10;
	[tilespmem:v8+s15+$0x0] =	vst.idx.msk vm0, v7  }
0xc8: {  	v13 =	vshll.u32 v13, $0x7;
	v8 =	vand.u32 $0xFFFFF000, v22;
	v22 =	vand.u32 $0xFFFFFC00, v23;
	v7 =	vld.idx.msk [tilespmem:v1+s13+$0x0], $0xffff;
	[tilespmem:v9+s15+$0x0] =	vst.idx.msk vm4, v5  }
0xc9: {  	v13 =	vand.u32 $0x380, v13;
	v5 =	vsub.s32 v11, v0;
	v8 =	vadd.s32 v22, v8;
	v9 =	vld.idx.msk [tilespmem:v14+s12+$0x0], $0xffff  }
0xca: {  	v15 =	vand.u32 $0x7F, v15;
	vm0 =	vlt.u32 v5, $0x10;
	v8 =	vor.u32 v13, v8;
	v14 =	vld.idx.msk [tilespmem:v3+s13+$0x0], $0xffff;
	[tilespmem:v10+s15+$0x0] =	vst.idx.msk vm3, v6  }
0xcb: {  	v6 =	vnsel vm0, $0x0, v5;
	v13 =	vadd.f32 v20, v18;
	v8 =	vor.u32 v15, v8;
	v22 =	vld.idx.msk [tilespmem:v11+s12+$0x0], $0xffff  }
0xcc: {  	v10 =	vshll.u32 v21, $0x9;
	v18 =	vnsel vm2, $0x0, v12;
	v5 =	vshll.u32 v6, $0x9  }
0xcd: {  	v20 =	vshll.u32 v3, $0x3;
	v12 =	vshll.u32 v18, $0x9;
	v23 =	vmul.f32 $2.000000030e-01, v13  }
.Ltmp1:
0xce: {  	v11 =	vand.u32 $0xFFFFF000, v5;
	vm3 =	vge.f32 v13, $0.0e+00;
	v5 =	vadd.f32 v7, v17;
	(pc) =	sbr.rel @p0 .LBB2_4-.Ltmp1, $4  }
0xcf: {  	v15 =	vand.u32 $0xFFFFF000, v10;
	v10 =	vand.u32 $0xFFFFF000, v12;
	v7 =	vsel vm3, v13, v23  }
0xd0: {  	v12 =	vshll.u32 v6, $0x7;
	v13 =	vshll.u32 v21, $0x7;
	v6 =	vadd.f32 v14, v9;
	[tilespmem:v8+s15+$0x0] =	vst.idx.msk vm5, v7  }
0xd1: {  	v17 =	vand.u32 $0xFFFFFC00, v19;
	v14 =	vshll.u32 v18, $0x7;
	v7 =	vadd.f32 v16, v22  }
0xd2: {  	s19 =	sadd.s32 $0x40, s19;
	v9 =	vmul.f32 $2.000000030e-01, v5;
	v16 =	vand.u32 $0xFFFFFC00, v20;
	v8 =	vmul.f32 $2.000000030e-01, v6  }
0xd3: {  	v4 =	vadd.s32 v4, v11;
	v60 =	vadd.s32 v17, v15;
	vm1 =	vmmov vm1  }
0xd4: {  	vm2 =	vmmov vm2;
	v12 =	vand.u32 $0x380, v12;
	v13 =	vand.u32 $0x380, v13  }
0xd5: {  	v10 =	vadd.s32 v16, v10;
	v14 =	vand.u32 $0x380, v14;
	v4 =	vor.u32 v12, v4  }
0xd6: {  	v1 =	vand.u32 $0x7F, v1;
	v11 =	vor.u32 v13, v60;
	v2 =	vor.u32 v2, v4  }
0xd7: {  	v3 =	vand.u32 $0x7F, v3;
	v61 =	vor.u32 v14, v10;
	v1 =	vor.u32 v1, v11  }
0xd8: {  	v62 =	vmul.f32 $2.000000030e-01, v7;
	v3 =	vor.u32 v3, v61  }
0xd9: {  	vm3 =	vge.f32 v7, $0.0e+00  }
0xda: {  	vm4 =	vge.f32 v5, $0.0e+00;
	v63 =	vsel vm3, v7, v62  }
0xdb: {  	vm15 =	vge.f32 v6, $0.0e+00;
	s16 =	sadd.s32 $0x1, s16;
	v5 =	vsel vm4, v5, v9;
	[tilespmem:v2+s15+$0x0] =	vst.idx.msk vm0, v63  }
0xdc: {  	p0 =	sne.s32 s16, s9;
	v2 =	vsel vm15, v6, v8;
	[tilespmem:v1+s15+$0x0] =	vst.idx.msk vm1, v5  }
.Ltmp2:
0xdd: {  	[tilespmem:v3+s15+$0x0] =	vst.idx.msk vm2, v2;
	(pc) =	sbr.rel @p0 .LBB2_1-.Ltmp2, $4  }
0xde: {  	[hbm4b:s8+s2] =	stream.linear.scatter [tilespmem:s15], [sflag:$0x1], $0x2000, $0x38;
	[tilespmem:$0x6480] =	vst v63  }
0xdf: {  	_ =	swait.ge [sflag:s10], $0x2000  }
0xe0: {  	[sflag:s10] =	ssyncset.done $0x0  }
0xe1: {  	[sflag:s10] =	ssyncadd.s32 $0xFFFFE000  }
0xe2: {  	_ =	sfence.sel $0x180000  }
0xe3: {  	[bflag:$0x0] =	sbarrier.arrive $0xFFFF  }
0xe4: {  	_ =	strace $0x9000004A  }
0xe5: {  	s0 =	stileid.u32;
	[bflag:$0x2] =	sbarrier.arrive $0xFFFF  }
0xe6: {  	p0 =	sne.s32 s0, $0x0;
	s0 =	rddreg [dreg:$0x2]  }
0xe7: {  	s0 =	sadd.s32 @!p0 $0x100000, s0  }
0xe8: {  	[sflag:s0] =	ssyncadd.tile.s32 @!p0 $0x1;
	_ =	shalt  }
.Lfunc_end2:
_tile_overlayer_lowered:
.L_overlay_start_2:
0xe9: {  	(tag) =	ssettag $0x2  }
0xea: {  	s0 =	rddreg [dreg:$0x0];
	s2 =	stileid.u32  }
0xeb: {  	s1 =	rddreg [dreg:$0x1];
	p0 =	sne.s32 s2, $0x0  }
0xec: {  	s3 =	rddreg [dreg:$0x2];
	[bflag:$0x3] =	sbarrier.arrive $0xFFFF;
	s2 =	simm.s32 @!p0 $0x1C01  }
0xed: {  	[timem:s3], [sflag:s2] =	dma.local @!p0 [hbm:s0], s1  }
0xee: {  	s0 =	simm.s32 @!p0 $0x1  }
0xef: {  	_ =	swait.ge @!p0 [sflag:s0], s1  }
0xf0: {  	s1 =	ssub.s32 @!p0 $0x0, s1;
	[sflag:s0] =	ssyncset.done @!p0 $0x0  }
0xf1: {  	[sflag:s0] =	ssyncadd.s32 @!p0 s1  }
0xf2: {  	[bflag:$0x3] =	sbarrier.arrive $0xFFFF  }
0xf3: {  	_ =	shalt  }

// kernel: kernel.7.cloned.1.call-start
scs
__scs_entry_jumppad:
0x0: {  	(pc) =	sbr.rel $0x88, $3  }
0x1: {  	(tag) =	ssettag $0x0;
	lr =	simm.s32 $0x1  }
0x2: {  	[smem:$0x3F9B] =	sst lr;
	_ =	strace $0xD0000000  }
0x3: {  	_ = 	snop  }
0x4: {  	_ = 	snop  }
0x5: {  	_ = 	snop  }
0x6: {  	_ = 	snop  }
0x7: {  	_ = 	snop  }
__scs_overlays_trampoline_lowered:
0x8: {  	[smem:$0x3FAA] =	sst s0  }
0x9: {  	[smem:$0x3FAB] =	sst s1  }
0xa: {  	[smem:$0x3FAC] =	sst s2  }
0xb: {  	[smem:$0x3FAD] =	sst s3  }
0xc: {  	[smem:$0x3FAE] =	sst s4  }
0xd: {  	[smem:$0x3FAF] =	sst s5  }
0xe: {  	[smem:$0x3FB0] =	sst s6  }
0xf: {  	[smem:$0x3FB1] =	sst s7  }
0x10: {  	[smem:$0x3FB2] =	sst s8  }
0x11: {  	[smem:$0x3FB3] =	sst s9;
	s0 =	simm.s32 @!p0 $0x0  }
0x12: {  	s1 =	sld [smem:$0x3F99];
	s0 =	simm.s32 @p0 $0x1  }
0x13: {  	[smem:$0x3FB4] =	sst s0;
	s0 =	simm.s32 @!p1 $0x0  }
0x14: {  	s2 =	sld [smem:$0x3F98];
	s0 =	simm.s32 @p1 $0x1  }
0x15: {  	[smem:$0x3FB5] =	sst s0;
	s0 =	simm.s32 @!p2 $0x0  }
0x16: {  	s3 =	sld [smem:$0x3FDB];
	s0 =	simm.s32 @p2 $0x1  }
0x17: {  	s4 =	simm.s32 $0x1BF5;
	[smem:$0x3FB7] =	sst s0  }
0x18: {  	s0 =	sld [smem:$0x3F9A];
	_ =	swait.ge [sflag:s4], $0x0  }
0x19: {  	s7 =	sld [smem:$0x3F9B]  }
0x1a: {  	s8 =	sadd.s32 $0xFFFFE003, lr  }
0x1b: {  	s9 =	sadd.s32 $0xFFFFFEF7, lr;
	s5 =	simm.s32 $0xFFFFFFFF;
	p2 =	slt.u32 s8, $0xFFFFF086  }
0x1c: {  	p1 =	slt.u32 s9, $0xF7A;
	s5 =	simm.s32 @!p2 $0x0  }
0x1d: {  	s5 =	simm.s32 @p1 $0x1;
	p0 =	seq.s32 s7, s2  }
0x1e: {  	s7 =	smul.u32 @!p0 $0xF7A, s2;
	p2 =	seq.s32 @!p0 s5, $0x0  }
0x1f: {  	s9 =	smul.u32 $0xF7A, s1;
	s8 =	simm.s32 @!p0 $0x1BF5;
	p2 =	por !p2, p0  }
0x20: {  	[sflag:s8] =	ssyncset.s32 @!p0 $0xFFFFF086;
	s6 =	sadd.s32 @!p0 s3, s7;
	s7 =	simm.s32 @!p0 $0x108  }
0x21: {  	s3 =	sadd.s32 s3, s9;
	s6 =	sadd.s32 @!p0 $0x88, s6;
	s7 =	simm.s32 @p2 $0x1082  }
0x22: {  	[simem:s7], [sflag:s8] =	dma.local @!p0 [hbm:s6], $0xF7A  }
0x23: {  	s9 =	sor.u32 $0xD0000000, s2;
	s6 =	simm.s32 $0x108;
	_ =	swait.ge @!p0 [sflag:s8], $0x0  }
0x24: {  	s3 =	sadd.s32 $0x88, s3;
	s6 =	simm.s32 @!p1 $0x1082;
	[sflag:s4] =	ssyncset.s32 $0xFFFFF086  }
0x25: {  	[simem:s6], [sflag:s4] =	dma.local [hbm:s3], $0xF7A  }
0x26: {  	[smem:$0x3F9B] =	sst s1;
	(tag) =	ssettag s2;
	_ =	strace s9  }
0x27: {  	s1 =	sld [smem:$0x3FAB]  }
0x28: {  	s2 =	sld [smem:$0x3FAC]  }
0x29: {  	s4 =	sld [smem:$0x3FAE]  }
0x2a: {  	p0 =	seq.s32 s5, $0x0;
	s5 =	sld [smem:$0x3FAF]  }
0x2b: {  	s6 =	sld [smem:$0x3FB0]  }
0x2c: {  	s7 =	sld [smem:$0x3FB1]  }
0x2d: {  	s3 =	simm.s32 $0x108;
	s8 =	sld [smem:$0x3FB2]  }
0x2e: {  	s3 =	simm.s32 @!p0 $0x1082;
	s9 =	sld [smem:$0x3FB3]  }
0x2f: {  	lr =	sadd.s32 s0, s3;
	s0 =	sld [smem:$0x3FAA]  }
0x30: {  	s3 =	sld [smem:$0x3FAD]  }
0x31: {  	[smem:$0x3FB6] =	sst s10  }
0x32: {  	s10 =	sld [smem:$0x3FB4];
	_ =	sdelay $0x3  }
0x33: {  	p0 =	seq.s32 s10, $0x1;
	s10 =	sld [smem:$0x3FB6];
	_ =	sdelay $0x3  }
0x34: {  	[smem:$0x3FB6] =	sst s10  }
0x35: {  	s10 =	sld [smem:$0x3FB5];
	_ =	sdelay $0x3  }
0x36: {  	p1 =	seq.s32 s10, $0x1;
	s10 =	sld [smem:$0x3FB6];
	_ =	sdelay $0x3  }
0x37: {  	[smem:$0x3FB6] =	sst s10  }
0x38: {  	s10 =	sld [smem:$0x3FB7]  }
0x39: {  	_ = 	snop;
	(pc) =	sbr.ind lr, $3  }
0x3a: {  	_ = 	snop  }
0x3b: {  	_ = 	snop  }
0x3c: {  	p2 =	seq.s32 s10, $0x1;
	s10 =	sld [smem:$0x3FB6]  }
0x3d: {  	_ =	shalt  }
0x3e: {  	_ =	shalt  }
0x3f: {  	_ =	shalt  }
0x40: {  	_ =	shalt  }
0x41: {  	_ =	shalt  }
0x42: {  	_ =	shalt  }
0x43: {  	_ =	shalt  }
0x44: {  	_ =	shalt  }
0x45: {  	_ =	shalt  }
0x46: {  	_ =	shalt  }
0x47: {  	_ =	shalt  }
0x48: {  	_ =	shalt  }
0x49: {  	_ =	shalt  }
0x4a: {  	_ =	shalt  }
0x4b: {  	_ =	shalt  }
0x4c: {  	_ =	shalt  }
0x4d: {  	_ =	shalt  }
0x4e: {  	_ =	shalt  }
0x4f: {  	_ =	shalt  }
0x50: {  	_ =	shalt  }
0x51: {  	_ =	shalt  }
0x52: {  	_ =	shalt  }
0x53: {  	_ =	shalt  }
0x54: {  	_ =	shalt  }
0x55: {  	_ =	shalt  }
0x56: {  	_ =	shalt  }
0x57: {  	_ =	shalt  }
0x58: {  	_ =	shalt  }
0x59: {  	_ =	shalt  }
0x5a: {  	_ =	shalt  }
0x5b: {  	_ =	shalt  }
0x5c: {  	_ =	shalt  }
0x5d: {  	_ =	shalt  }
0x5e: {  	_ =	shalt  }
0x5f: {  	_ =	shalt  }
0x60: {  	_ =	shalt  }
0x61: {  	_ =	shalt  }
0x62: {  	_ =	shalt  }
0x63: {  	_ =	shalt  }
0x64: {  	_ =	shalt  }
0x65: {  	_ =	shalt  }
0x66: {  	_ =	shalt  }
0x67: {  	_ =	shalt  }
0x68: {  	_ =	shalt  }
0x69: {  	_ =	shalt  }
0x6a: {  	_ =	shalt  }
0x6b: {  	_ =	shalt  }
0x6c: {  	_ =	shalt  }
0x6d: {  	_ =	shalt  }
0x6e: {  	_ =	shalt  }
0x6f: {  	_ =	shalt  }
0x70: {  	_ =	shalt  }
0x71: {  	_ =	shalt  }
0x72: {  	_ =	shalt  }
0x73: {  	_ =	shalt  }
0x74: {  	_ =	shalt  }
0x75: {  	_ =	shalt  }
0x76: {  	_ =	shalt  }
0x77: {  	_ =	shalt  }
0x78: {  	_ =	shalt  }
0x79: {  	_ =	shalt  }
0x7a: {  	_ =	shalt  }
0x7b: {  	_ =	shalt  }
0x7c: {  	_ =	shalt  }
0x7d: {  	_ =	shalt  }
0x7e: {  	_ =	shalt  }
0x7f: {  	_ =	shalt  }
0x80: {  	_ =	shalt  }
0x81: {  	_ =	shalt  }
0x82: {  	_ =	shalt  }
0x83: {  	_ =	shalt  }
0x84: {  	_ =	shalt  }
0x85: {  	_ =	shalt  }
0x86: {  	_ =	shalt  }
0x87: {  	_ =	shalt  }
.Lfunc_end0:
.L_simem_size_0:
called_computation_lowered:
.L_overlay_start_0:
0x88: {  	s2 =	sld [smem:$0x3FD9]  }
0x89: {  	s3 =	sld [smem:$0x3FFE];
	_ =	sdelay $0x1  }
0x8a: {  	s1 =	srdreg.scid  }
0x8b: {  	s0 =	sand.u32 $0x1, s1  }
0x8c: {  	s17 =	sshll.u32 s0, $0xA;
	s2 =	sadd.s32 s3, s2  }
0x8d: {  	s2 =	sadd.s32 s2, s17  }
0x8e: {  	[smem:$0x3FC2] =	sst s2  }
0x8f: {  	_ = 	snop  }
0x90: {  	s2 =	sld [smem:$0x3FD0];
	(tm) =	ssettm $0x1  }
0x91: {  	s18 =	sld [smem:$0x3FFB];
	_ =	sdelay $0x3  }
0x92: {  	_ =	strace s18  }
0x93: {  	s3 =	sld [smem:$0x3FFC];
	_ =	sdelay $0x3  }
0x94: {  	_ =	strace s3  }
0x95: {  	s3 =	sld [smem:$0x3FFD];
	_ =	sdelay $0x3  }
0x96: {  	_ =	strace s3  }
0x97: {  	_ =	strace $0x8FFFFFFF  }
0x98: {  	s19 =	sld [smem:$0x3FDB];
	_ =	sdelay $0x1  }
0x99: {  	s4 =	simm.s32 $_scs_section_size  }
0x9a: {  	s5 =	simm.s32 $_size__tile_overlayer_lowered;
	s6 =	simm.s32 $_tile_overlayer_lowered  }
0x9b: {  	s22 =	simm.s32 $0x1BFF;
	s21 =	sshll.u32 s6, $0x1;
	s3 =	sadd.s32 s4, s19  }
0x9c: {  	s7 =	simm.s32 $0x0;
	s20 =	sshll.u32 s5, $0x1;
	s5 =	sadd.s32 s21, s3  }
0x9d: {  	[timem:s7], [sflag:s22] =	dma.local [hbm:s5], s20  }
0x9e: {  	_ =	swait.ge [sflag:s22], s20  }
0x9f: {  	s4 =	ssub.s32 $0x0, s20;
	[sflag:s22] =	ssyncset.done $0x0  }
0xa0: {  	[sflag:s22] =	ssyncadd.s32 s4;
	_ =	sdelay $0x1  }
0xa1: {  	s23 =	simm.s32 $0x1B8B  }
0xa2: {  	_ =	swait.ge [sflag:s23], $0x1  }
0xa3: {  	[sflag:s23] =	ssyncset.done $0x0  }
0xa4: {  	s25 =	simm.s32 $0x1B8E;
	s24 =	sld [smem:$0x3FFE];
	[sflag:s23] =	ssyncadd.s32 $0xFFFFFFFF  }
0xa5: {  	s26 =	simm.s32 $execute0_lowered;
	[smem:$0x3FD2] =	sst s25  }
0xa6: {  	s5 =	sshll.u32 s26, $0x1;
	_ =	strace $0x80000046;
	[dreg:$0x1] =	wrdreg $0xFFFFFFFF  }
0xa7: {  	s28 =	simm.s32 $_size_execute0_lowered;
	s3 =	sadd.s32 s3, s5;
	[dreg:$0x0] =	wrdreg $0x0  }
0xa8: {  	s5 =	sshll.u32 s28, $0x1;
	[dreg:$0x2] =	wrdreg s3  }
0xa9: {  	[dreg:$0x3] =	wrdreg s5  }
0xaa: {  	[dreg:$0x4] =	wrdreg $0xC0  }
0xab: {  	_ =	task [dreg:s7], $0x5FFFF  }
0xac: {  	[dreg:$0x1] =	wrdreg $0xFFFFFFFF  }
0xad: {  	[dreg:$0x0] =	wrdreg $0x60  }
0xae: {  	[dreg:$0x2] =	wrdreg s24  }
0xaf: {  	[dreg:$0x3] =	wrdreg s2  }
0xb0: {  	[dreg:$0x4] =	wrdreg $0x9  }
0xb1: {  	_ =	task.clear_ibuf [dreg:s7], $0x5FFFF;
	_ =	strace $0x90000046  }
0xb2: {  	s29 =	simm.s32 $0x9;
	_ =	strace $0x80000048  }
0xb3: {  	_ =	swait.ge [sflag:s29], $0x1  }
0xb4: {  	[sflag:s29] =	ssyncadd.s32 $0xFFFFFFFF  }
0xb5: {  	_ =	strace $0x90000048  }
0xb6: {  	_ =	sfence  }
0xb7: {  	s30 =	sld [smem:$0x0];
	_ =	sdelay $0x2  }
0xb8: {  	s31 =	sshll.u32 s1, $0xD;
	s1 =	sshrl.u32 s1, $0x2  }
0xb9: {  	s3 =	sand.u32 $0x4000, s31;
	s1 =	sadd.s32 s1, s30  }
0xba: {  	s0 =	sor.u32 s3, s0;
	s1 =	sshll.u32 s1, $0x11  }
0xbb: {  	s0 =	sor.u32 s1, s0  }
0xbc: {  	s0 =	sadd.s32 $0x8F2B, s0  }
0xbd: {  	[sflag:s0] =	ssyncadd.remote.s32 $0x1  }
0xbe: {  	_ =	sfence.sel $0xFFFF  }
0xbf: {  	[dreg:$0x0] =	wrdreg $0xFFFFFFFF;
	(pc) =	sbr.abs _section_cstart, $3  }
0xc0: {  	[dreg:$0x1] =	wrdreg $0xFFFFFFFF  }
0xc1: {  	_ =	task.clear_ibuf [dreg:s7], $0x2FFFF;
	_ =	strace $0x9FFFFFFF  }
0xc2: {  	(tm) =	ssettm $0x7FFFFFFF  }
0xc3: {  	_ =	shalt  }
tec
execute0_lowered:
.L_overlay_start_1:
0x0: {  	(tag) =	ssettag $0x1  }
0x1: {  	s0 =	rddreg [dreg:$0x0];
	s1 =	stileid.u32;
	s3 =	simm.s32 $0x0  }
0x2: {  	s7 =	srdreg.scid;
	s12 =	simm.s32 $0x4000;
	s13 =	simm.s32 $0x4200  }
0x3: {  	s15 =	simm.s32 $0x4480;
	s16 =	simm.s32 $0x0;
	s5 =	sshrl.u32 s1, $0x2  }
0x4: {  	[smem:$0x7FF] =	sst s3;
	s7 =	sand.u32 $0x1, s7;
	s10 =	sshll.u32 s1, $0x1  }
0x5: {  	s4 =	sshll.u32 s5, $0x6;
	_ =	strace $0x80000047;
	s8 =	sshll.u32 s5, $0x1  }
0x6: {  	s9 =	ssub.s32 $0x2, s7;
	s5 =	sshll.u32 s5, $0xF;
	s10 =	sand.u32 $0x6, s10  }
0x7: {  	s6 =	sadd.s32 s4, s0;
	s4 =	sadd.s32 $0x2200, s0;
	s8 =	sadd.s32 s8, s0  }
0x8: {  	s11 =	sshrl.u32 s9, $0x1;
	s0 =	sadd.s32 s5, s0;
	s7 =	sor.u32 s7, s10  }
0x9: {  	s9 =	ssub.s32 s9, s11;
	s14 =	sshll.u32 s7, $0x6;
	s5 =	sadd.s32 $0x2600, s6  }
0xa: {  	s10 =	sshll.u32 s7, $0xC;
	s6 =	sadd.s32 $0x2800, s6;
	s7 =	sadd.s32 $0x2A00, s8  }
0xb: {  	s11 =	simm.s32 $0x2000;
	s0 =	sadd.s32 s10, s0;
	s9 =	smax.u32 s9, $0x1  }
0xc: {  	s10 =	simm.s32 $0x1;
	v0 =	vmov s14;
	s14 =	simm.s32 $0x4400;
	s8 =	sadd.s32 $0x2C00, s0  }
.LBB2_1:
0xd: {  	[tilespmem:s3], [sflag:$0x1] =	stream.linear.gather [hbm4b:s4+s3], $0x2000, $0x38;
	[tilespmem:$0xC480] =	vst v63  }
0xe: {  	_ =	swait.ge [sflag:s10], $0x2000  }
0xf: {  	[sflag:s10] =	ssyncset.done $0x0  }
0x10: {  	[sflag:s10] =	ssyncadd.s32 $0xFFFFE000  }
0x11: {  	s0 =	rddreg [dreg:$0x1]  }
0x12: {  	[tilespmem:s11], [sflag:$0x1] =	stream.linear.gather [hbm4b:s0+s3], $0x2000, $0x38;
	[tilespmem:$0xC480] =	vst v63  }
0x13: {  	_ =	swait.ge [sflag:s10], $0x2000  }
0x14: {  	[sflag:s10] =	ssyncset.done $0x0  }
0x15: {  	[sflag:s10] =	ssyncadd.s32 $0xFFFFE000  }
0x16: {  	[tilespmem:s12], [sflag:$0x1] =	stream.linear.gather [hbm4b:s5+s3], $0x200, $0x38;
	[tilespmem:$0xC480] =	vst v63  }
0x17: {  	_ =	swait.ge [sflag:s10], $0x200  }
0x18: {  	[sflag:s10] =	ssyncset.done $0x0  }
0x19: {  	[sflag:s10] =	ssyncadd.s32 $0xFFFFFE00  }
0x1a: {  	[tilespmem:s13], [sflag:$0x1] =	stream.linear.gather [hbm4b:s6+s3], $0x200, $0x38;
	[tilespmem:$0xC480] =	vst v63  }
0x1b: {  	_ =	swait.ge [sflag:s10], $0x200  }
0x1c: {  	[sflag:s10] =	ssyncset.done $0x0  }
0x1d: {  	[sflag:s10] =	ssyncadd.s32 $0xFFFFFE00  }
0x1e: {  	[tilespmem:s14], [sflag:$0x1] =	stream.linear.gather [hbm4b:s7+s3], $0x10, $0x38;
	[tilespmem:$0xC480] =	vst v63  }
0x1f: {  	_ =	swait.ge [sflag:s10], $0x10  }
0x20: {  	[sflag:s10] =	ssyncset.done $0x0  }
0x21: {  	[sflag:s10] =	ssyncadd.s32 $0xFFFFFFF0  }
0x22: {  	v1 =	vld [tilespmem:$0x4400];
	_ =	sdelay $0x2  }
0x23: {  	s18 =	sand.u32 $0x7000, s3;
	s17 =	sand.u32 $0x300, s3  }
0x24: {  	s0 =	sor.u32 s17, s18  }
0x25: {  	[tilespmem:s0+$0x4500] =	vst v1  }
0x26: {  	[tilespmem:s0+$0x4510] =	vst v1  }
0x27: {  	[tilespmem:s0+$0x4520] =	vst v1  }
0x28: {  	[tilespmem:s0+$0x4530] =	vst v1  }
0x29: {  	[tilespmem:s0+$0x4540] =	vst v1  }
0x2a: {  	[tilespmem:s0+$0x4550] =	vst v1  }
0x2b: {  	[tilespmem:s0+$0x4560] =	vst v1  }
0x2c: {  	[tilespmem:s0+$0x4570] =	vst v1  }
0x2d: {  	[tilespmem:s0+$0x4900] =	vst v1  }
0x2e: {  	[tilespmem:s0+$0x4910] =	vst v1  }
0x2f: {  	[tilespmem:s0+$0x4920] =	vst v1  }
0x30: {  	[tilespmem:s0+$0x4930] =	vst v1  }
0x31: {  	[tilespmem:s0+$0x4940] =	vst v1  }
0x32: {  	[tilespmem:s0+$0x4950] =	vst v1  }
0x33: {  	[tilespmem:s0+$0x4960] =	vst v1  }
0x34: {  	[tilespmem:s0+$0x4970] =	vst v1  }
0x35: {  	[tilespmem:s0+$0x4D00] =	vst v1  }
0x36: {  	[tilespmem:s0+$0x4D10] =	vst v1  }
0x37: {  	[tilespmem:s0+$0x4D20] =	vst v1  }
0x38: {  	[tilespmem:s0+$0x4D30] =	vst v1  }
0x39: {  	[tilespmem:s0+$0x4D40] =	vst v1  }
0x3a: {  	[tilespmem:s0+$0x4D50] =	vst v1  }
0x3b: {  	[tilespmem:s0+$0x4D60] =	vst v1  }
0x3c: {  	[tilespmem:s0+$0x4D70] =	vst v1  }
0x3d: {  	[tilespmem:s0+$0x4480] =	vst v1  }
0x3e: {  	[tilespmem:s0+$0x4490] =	vst v1  }
0x3f: {  	[tilespmem:s0+$0x44A0] =	vst v1  }
0x40: {  	[tilespmem:s0+$0x44B0] =	vst v1  }
0x41: {  	[tilespmem:s0+$0x44C0] =	vst v1  }
0x42: {  	[tilespmem:s0+$0x44D0] =	vst v1  }
0x43: {  	[tilespmem:s0+$0x44E0] =	vst v1  }
0x44: {  	[tilespmem:s0+$0x44F0] =	vst v1  }
0x45: {  	[tilespmem:s0+$0x4880] =	vst v1  }
0x46: {  	[tilespmem:s0+$0x4890] =	vst v1  }
0x47: {  	[tilespmem:s0+$0x48A0] =	vst v1  }
0x48: {  	[tilespmem:s0+$0x48B0] =	vst v1  }
0x49: {  	[tilespmem:s0+$0x48C0] =	vst v1  }
0x4a: {  	[tilespmem:s0+$0x48D0] =	vst v1  }
0x4b: {  	[tilespmem:s0+$0x48E0] =	vst v1  }
0x4c: {  	s19 =	sand.u32 $0x3, s3;
	[tilespmem:s0+$0x48F0] =	vst v1  }
0x4d: {  	s17 =	sshll.u32 s19, $0x8;
	[tilespmem:s0+$0x4C80] =	vst v1  }
0x4e: {  	s17 =	sadd.s32 $0x0, s17;
	[tilespmem:s0+$0x4C90] =	vst v1  }
0x4f: {  	s18 =	sadd.s32 $0x80, s17;
	[tilespmem:s0+$0x4CA0] =	vst v1  }
0x50: {  	s19 =	sor.u32 $0xC00, s18;
	[tilespmem:s0+$0x4CB0] =	vst v1  }
0x51: {  	s26 =	sor.u32 $0xC00, s17;
	[tilespmem:s19+$0x4480] =	vst v1  }
0x52: {  	s20 =	sor.u32 $0xC10, s18;
	[tilespmem:s26+$0x4480] =	vst v1  }
0x53: {  	[tilespmem:s20+$0x4480] =	vst v1  }
0x54: {  	[tilespmem:s0+$0x4CC0] =	vst v1  }
0x55: {  	[tilespmem:s0+$0x4CD0] =	vst v1  }
0x56: {  	[tilespmem:s0+$0x4CE0] =	vst v1  }
0x57: {  	s21 =	sor.u32 $0xC20, s18;
	[tilespmem:s0+$0x4CF0] =	vst v1  }
0x58: {  	s28 =	sor.u32 $0xC10, s17;
	[tilespmem:s21+$0x4480] =	vst v1  }
0x59: {  	s22 =	sor.u32 $0xC30, s18;
	[tilespmem:s28+$0x4480] =	vst v1  }
0x5a: {  	s29 =	sor.u32 $0xC20, s17;
	[tilespmem:s22+$0x4480] =	vst v1  }
0x5b: {  	s23 =	sor.u32 $0xC40, s18;
	[tilespmem:s29+$0x4480] =	vst v1  }
0x5c: {  	s30 =	sor.u32 $0xC30, s17;
	[tilespmem:s23+$0x4480] =	vst v1  }
0x5d: {  	s24 =	sor.u32 $0xC50, s18;
	[tilespmem:s30+$0x4480] =	vst v1  }
0x5e: {  	s20 =	sor.u32 $0xC40, s17;
	[tilespmem:s24+$0x4480] =	vst v1  }
0x5f: {  	s31 =	sor.u32 $0xC50, s17;
	s25 =	sor.u32 $0xC60, s18;
	[tilespmem:s20+$0x4480] =	vst v1  }
0x60: {  	s18 =	sor.u32 $0xC70, s18;
	s19 =	simm.s32 $0x0;
	s21 =	simm.s32 $0x400;
	[tilespmem:s25+$0x4480] =	vst v1  }
0x61: {  	s22 =	simm.s32 $0x0;
	s24 =	sor.u32 $0xC70, s17;
	s20 =	simm.s32 $0x100;
	[tilespmem:s31+$0x4480] =	vst v1  }
0x62: {  	s25 =	sor.u32 $0xC60, s17;
	s17 =	simm.s32 $0x2020;
	[tilespmem:s18+$0x4480] =	vst v1;
	s18 =	simm.s32 $0x20  }
.LBB2_2:
0x63: {  	s0 =	sand.u32 $0x7000, s21;
	s23 =	sand.u32 $0x300, s20;
	[tilespmem:s25+$0x4480] =	vst v1  }
0x64: {  	s23 =	sor.u32 s23, s0;
	[tilespmem:s24+$0x4480] =	vst v1  }
0x65: {  	[tilespmem:s23+$0x4500] =	vst v1  }
0x66: {  	[tilespmem:s23+$0x4510] =	vst v1  }
0x67: {  	[tilespmem:s23+$0x4520] =	vst v1  }
0x68: {  	[tilespmem:s23+$0x4530] =	vst v1  }
0x69: {  	[tilespmem:s23+$0x4540] =	vst v1  }
0x6a: {  	[tilespmem:s23+$0x4550] =	vst v1  }
0x6b: {  	[tilespmem:s23+$0x4560] =	vst v1  }
0x6c: {  	[tilespmem:s23+$0x4570] =	vst v1  }
0x6d: {  	[tilespmem:s23+$0x4900] =	vst v1  }
0x6e: {  	[tilespmem:s23+$0x4910] =	vst v1  }
0x6f: {  	[tilespmem:s23+$0x4920] =	vst v1  }
0x70: {  	[tilespmem:s23+$0x4930] =	vst v1  }
0x71: {  	[tilespmem:s23+$0x4940] =	vst v1  }
0x72: {  	[tilespmem:s23+$0x4950] =	vst v1  }
0x73: {  	[tilespmem:s23+$0x4960] =	vst v1  }
0x74: {  	[tilespmem:s23+$0x4970] =	vst v1  }
0x75: {  	[tilespmem:s23+$0x4D00] =	vst v1  }
0x76: {  	[tilespmem:s23+$0x4D10] =	vst v1  }
0x77: {  	s22 =	sadd.s32 $0x1, s22;
	[tilespmem:s23+$0x4D20] =	vst v1  }
0x78: {  	s0 =	sand.u32 $0x3, s22;
	[tilespmem:s23+$0x4D30] =	vst v1  }
0x79: {  	s0 =	sshll.u32 s0, $0x8;
	[tilespmem:s23+$0x4D40] =	vst v1  }
0x7a: {  	s24 =	sadd.s32 s0, s21;
	[tilespmem:s23+$0x4D50] =	vst v1  }
0x7b: {  	s0 =	sor.u32 $0xC00, s24;
	s26 =	sor.u32 $0xC10, s24;
	s1 =	sadd.s32 $0x80, s24;
	[tilespmem:s23+$0x4D60] =	vst v1  }
0x7c: {  	s29 =	sor.u32 $0xC20, s24;
	s28 =	sor.u32 $0xC30, s24;
	s25 =	sor.u32 $0xC00, s1;
	[tilespmem:s23+$0x4D70] =	vst v1  }
0x7d: {  	s31 =	sor.u32 $0xC40, s24;
	s30 =	sor.u32 $0xC50, s24;
	s2 =	sor.u32 $0xC10, s1;
	[tilespmem:s25+$0x4480] =	vst v1  }
0x7e: {  	s25 =	sor.u32 $0xC60, s24;
	s24 =	sor.u32 $0xC70, s24;
	[tilespmem:s2+$0x4480] =	vst v1;
	s2 =	sor.u32 $0xC20, s1  }
0x7f: {  	s19 =	sadd.s32 $0x2, s19;
	[tilespmem:s2+$0x4480] =	vst v1;
	s2 =	sor.u32 $0xC30, s1  }
0x80: {  	p0 =	slt.u32 s19, $0x3E;
	[tilespmem:s2+$0x4480] =	vst v1;
	s2 =	sor.u32 $0xC40, s1  }
0x81: {  	[tilespmem:s2+$0x4480] =	vst v1;
	s2 =	sor.u32 $0xC50, s1  }
0x82: {  	[tilespmem:s2+$0x4480] =	vst v1;
	s2 =	sor.u32 $0xC60, s1  }
0x83: {  	s1 =	sor.u32 $0xC70, s1;
	[tilespmem:s2+$0x4480] =	vst v1  }
0x84: {  	[tilespmem:s1+$0x4480] =	vst v1  }
0x85: {  	[tilespmem:s23+$0x4480] =	vst v1  }
0x86: {  	[tilespmem:s23+$0x4490] =	vst v1  }
0x87: {  	[tilespmem:s23+$0x44A0] =	vst v1  }
0x88: {  	[tilespmem:s23+$0x44B0] =	vst v1  }
0x89: {  	[tilespmem:s23+$0x44C0] =	vst v1  }
0x8a: {  	[tilespmem:s23+$0x44D0] =	vst v1  }
0x8b: {  	[tilespmem:s23+$0x44E0] =	vst v1  }
0x8c: {  	[tilespmem:s23+$0x44F0] =	vst v1  }
0x8d: {  	[tilespmem:s23+$0x4880] =	vst v1  }
0x8e: {  	[tilespmem:s23+$0x4890] =	vst v1  }
0x8f: {  	[tilespmem:s23+$0x48A0] =	vst v1  }
0x90: {  	[tilespmem:s23+$0x48B0] =	vst v1  }
0x91: {  	[tilespmem:s23+$0x48C0] =	vst v1  }
0x92: {  	[tilespmem:s23+$0x48D0] =	vst v1  }
0x93: {  	[tilespmem:s23+$0x48E0] =	vst v1  }
0x94: {  	[tilespmem:s23+$0x48F0] =	vst v1  }
0x95: {  	[tilespmem:s23+$0x4C80] =	vst v1  }
0x96: {  	[tilespmem:s23+$0x4C90] =	vst v1  }
0x97: {  	[tilespmem:s23+$0x4CA0] =	vst v1  }
0x98: {  	[tilespmem:s23+$0x4CB0] =	vst v1  }
0x99: {  	[tilespmem:s0+$0x4480] =	vst v1  }
0x9a: {  	[tilespmem:s23+$0x4CC0] =	vst v1  }
0x9b: {  	[tilespmem:s23+$0x4CD0] =	vst v1  }
0x9c: {  	[tilespmem:s23+$0x4CE0] =	vst v1  }
0x9d: {  	[tilespmem:s23+$0x4CF0] =	vst v1  }
.Ltmp0:
0x9e: {  	[tilespmem:s26+$0x4480] =	vst v1;
	(pc) =	sbr.rel @p0 .LBB2_2-.Ltmp0, $4  }
0x9f: {  	[tilespmem:s29+$0x4480] =	vst v1  }
0xa0: {  	[tilespmem:s28+$0x4480] =	vst v1  }
0xa1: {  	[tilespmem:s31+$0x4480] =	vst v1  }
0xa2: {  	s20 =	sadd.s32 $0x100, s20;
	s21 =	sadd.s32 $0x400, s21;
	[tilespmem:s30+$0x4480] =	vst v1  }
0xa3: {  	[tilespmem:s25+$0x4480] =	vst v1  }
0xa4: {  	[tilespmem:s24+$0x4480] =	vst v1  }
0xa5: {  	v5 =	vld [tilespmem:s18+$0x10]  }
0xa6: {  	v6 =	vld [tilespmem:s17+$0x10]  }
0xa7: {  	v7 =	vld [tilespmem:s17+$0xFFFFFFE0]  }
0xa8: {  	v8 =	vld [tilespmem:s18+$0xFFFFFFF0]  }
0xa9: {  	v1 =	vld [tilespmem:s17+$0xFFFFFFF0]  }
0xaa: {  	v3 =	vld [tilespmem:s17+$0x0]  }
0xab: {  	v10 =	vld [tilespmem:s18+$0xFFFFFFE0];
	_ =	sdelay $0x1  }
0xac: {  	v9 =	vld [tilespmem:s18+$0x0]  }
0xad: {  	v2 =	vand.u32 $0x7F, v7;
	v4 =	vshll.u32 v7, $0x3  }
0xae: {  	v11 =	vsub.s32 v8, v0;
	v12 =	vsub.s32 v5, v0;
	v14 =	vshll.u32 v1, $0x3;
	v5 =	vld.idx.msk [tilespmem:v5+s12+$0x0], $0xffff  }
0xaf: {  	v17 =	vshll.u32 v6, $0x3;
	v19 =	vsub.s32 v10, v0;
	v23 =	vshll.u32 v3, $0x3;
	v13 =	vld.idx.msk [tilespmem:v6+s13+$0x0], $0xffff  }
0xb0: {  	v4 =	vand.u32 $0xFFFFFC00, v4;
	vm1 =	vlt.u32 v11, $0x40;
	vm3 =	vlt.u32 v12, $0x40;
	v7 =	vld.idx.msk [tilespmem:v7+s13+$0x0], $0xffff  }
0xb1: {  	v17 =	vand.u32 $0xFFFFFC00, v17;
	vm0 =	vlt.u32 v19, $0x40;
	v12 =	vnsel vm3, $0x0, v12;
	v8 =	vld.idx.msk [tilespmem:v8+s12+$0x0], $0xffff  }
0xb2: {  	v16 =	vnsel vm1, $0x0, v11;
	v11 =	vsub.s32 v9, v0;
	v15 =	vshll.u32 v12, $0x9;
	v18 =	vld.idx.msk [tilespmem:v1+s13+$0x0], $0xffff  }
0xb3: {  	vm2 =	vlt.u32 v11, $0x40;
	v12 =	vshll.u32 v12, $0x7;
	v21 =	vld.idx.msk [tilespmem:v10+s12+$0x0], $0xffff;
	v15 =	vand.u32 $0xFFFFF000, v15  }
0xb4: {  	v9 =	vld.idx.msk [tilespmem:v9+s12+$0x0], $0xffff;
	v12 =	vand.u32 $0x380, v12;
	v22 =	vnsel vm2, $0x0, v11;
	v15 =	vadd.s32 v17, v15  }
0xb5: {  	v6 =	vand.u32 $0x7F, v6;
	v17 =	vld.idx.msk [tilespmem:v3+s13+$0x0], $0xffff;
	v10 =	vshll.u32 v22, $0x9;
	v12 =	vor.u32 v12, v15  }
0xb6: {  	v19 =	vnsel vm0, $0x0, v19;
	v10 =	vand.u32 $0xFFFFF000, v10;
	v20 =	vor.u32 v6, v12  }
0xb7: {  	v6 =	vshll.u32 v16, $0x9;
	v13 =	vadd.f32 v13, v5;
	v5 =	vshll.u32 v19, $0x9  }
0xb8: {  	v15 =	vand.u32 $0xFFFFF000, v6;
	v7 =	vadd.f32 v7, v21;
	v11 =	vand.u32 $0xFFFFF000, v5  }
0xb9: {  	v5 =	vadd.f32 v18, v8;
	v12 =	vmul.f32 $2.000000030e-01, v13;
	vm4 =	vge.f32 v13, $0.0e+00  }
0xba: {  	v6 =	vadd.f32 v17, v9;
	v17 =	vand.u32 $0xFFFFFC00, v14;
	v14 =	vshll.u32 v22, $0x7  }
0xbb: {  	v9 =	vmul.f32 $2.000000030e-01, v5;
	v8 =	vsel vm4, v13, v12;
	v12 =	vshll.u32 v19, $0x7  }
0xbc: {  	s19 =	simm.s32 $0x60;
	s18 =	simm.s32 $0x0;
	v13 =	vshll.u32 v16, $0x7;
	v16 =	vand.u32 $0xFFFFFC00, v23;
	[tilespmem:v20+s15+$0x0] =	vst.idx.msk vm3, v8;
	v8 =	vmul.f32 $2.000000030e-01, v6  }
.LBB2_4:
0xbd: {  	v19 =	vmul.f32 $2.000000030e-01, v7;
	v4 =	vadd.s32 v4, v11  }
0xbe: {  	v18 =	vld [tilespmem:s19+$0x10];
	v11 =	vadd.s32 v17, v15;
	s17 =	sadd.s32 $0x40, s17;
	vm4 =	vmmov vm1;
	vm3 =	vmmov vm2  }
0xbf: {  	s18 =	sadd.s32 $0x4, s18;
	v12 =	vand.u32 $0x380, v12;
	v13 =	vand.u32 $0x380, v13;
	v10 =	vadd.s32 v16, v10;
	v15 =	vld [tilespmem:s17+$0x10]  }
0xc0: {  	vm1 =	vge.f32 v7, $0.0e+00;
	vm2 =	vge.f32 v5, $0.0e+00;
	v14 =	vand.u32 $0x380, v14;
	p0 =	slt.u32 s18, $0x1FC;
	v16 =	vld [tilespmem:s17+$0xFFFFFFE0]  }
0xc1: {  	vm5 =	vge.f32 v6, $0.0e+00;
	v4 =	vor.u32 v12, v4;
	v11 =	vor.u32 v13, v11;
	v17 =	vld [tilespmem:s19+$0xFFFFFFF0]  }
0xc2: {  	v12 =	vand.u32 $0x7F, v1;
	v13 =	vand.u32 $0x7F, v3;
	v10 =	vor.u32 v14, v10;
	v1 =	vld [tilespmem:s17+$0xFFFFFFF0]  }
0xc3: {  	v5 =	vsel vm2, v5, v9;
	v6 =	vsel vm5, v6, v8;
	v7 =	vsel vm1, v7, v19;
	v14 =	vld [tilespmem:s19+$0x0]  }
0xc4: {  	v8 =	vor.u32 v2, v4;
	v9 =	vor.u32 v12, v11;
	v10 =	vor.u32 v13, v10;
	v3 =	vld [tilespmem:s17+$0x0]  }
0xc5: {  	v11 =	vld [tilespmem:s19+$0xFFFFFFE0];
	v2 =	vand.u32 $0x7F, v16;
	v4 =	vshll.u32 v16, $0x3  }
0xc6: {  	v13 =	vsub.s32 v18, v0;
	v4 =	vand.u32 $0xFFFFFC00, v4;
	v12 =	vsub.s32 v17, v0;
	v18 =	vld.idx.msk [tilespmem:v18+s12+$0x0], $0xffff  }
0xc7: {  	vm5 =	vlt.u32 v13, $0x40;
	vm1 =	vlt.u32 v12, $0x40;
	v19 =	vshll.u32 v1, $0x3;
	v20 =	vld.idx.msk [tilespmem:v15+s13+$0x0], $0xffff  }
0xc8: {  	v13 =	vnsel vm5, $0x0, v13;
	v16 =	vld.idx.msk [tilespmem:v16+s13+$0x0], $0xffff;
	v21 =	vnsel vm1, $0x0, v12;
	v12 =	vsub.s32 v14, v0  }
0xc9: {  	v23 =	vshll.u32 v15, $0x3;
	v22 =	vshll.u32 v13, $0x9;
	v17 =	vld.idx.msk [tilespmem:v17+s12+$0x0], $0xffff;
	vm2 =	vlt.u32 v12, $0x40;
	[tilespmem:v8+s15+$0x0] =	vst.idx.msk vm0, v7  }
0xca: {  	v13 =	vshll.u32 v13, $0x7;
	v8 =	vand.u32 $0xFFFFF000, v22;
	v22 =	vand.u32 $0xFFFFFC00, v23;
	v7 =	vld.idx.msk [tilespmem:v1+s13+$0x0], $0xffff;
	[tilespmem:v9+s15+$0x0] =	vst.idx.msk vm4, v5  }
0xcb: {  	v13 =	vand.u32 $0x380, v13;
	v5 =	vsub.s32 v11, v0;
	v8 =	vadd.s32 v22, v8;
	v9 =	vld.idx.msk [tilespmem:v14+s12+$0x0], $0xffff  }
0xcc: {  	v15 =	vand.u32 $0x7F, v15;
	vm0 =	vlt.u32 v5, $0x40;
	v8 =	vor.u32 v13, v8;
	v14 =	vld.idx.msk [tilespmem:v3+s13+$0x0], $0xffff;
	[tilespmem:v10+s15+$0x0] =	vst.idx.msk vm3, v6  }
0xcd: {  	v6 =	vnsel vm0, $0x0, v5;
	v13 =	vadd.f32 v20, v18;
	v8 =	vor.u32 v15, v8;
	v22 =	vld.idx.msk [tilespmem:v11+s12+$0x0], $0xffff  }
0xce: {  	v10 =	vshll.u32 v21, $0x9;
	v18 =	vnsel vm2, $0x0, v12;
	v5 =	vshll.u32 v6, $0x9  }
0xcf: {  	v20 =	vshll.u32 v3, $0x3;
	v12 =	vshll.u32 v18, $0x9;
	v23 =	vmul.f32 $2.000000030e-01, v13  }
.Ltmp1:
0xd0: {  	v11 =	vand.u32 $0xFFFFF000, v5;
	vm3 =	vge.f32 v13, $0.0e+00;
	v5 =	vadd.f32 v7, v17;
	(pc) =	sbr.rel @p0 .LBB2_4-.Ltmp1, $4  }
0xd1: {  	v15 =	vand.u32 $0xFFFFF000, v10;
	v10 =	vand.u32 $0xFFFFF000, v12;
	v7 =	vsel vm3, v13, v23  }
0xd2: {  	v12 =	vshll.u32 v6, $0x7;
	v13 =	vshll.u32 v21, $0x7;
	v6 =	vadd.f32 v14, v9;
	[tilespmem:v8+s15+$0x0] =	vst.idx.msk vm5, v7  }
0xd3: {  	v17 =	vand.u32 $0xFFFFFC00, v19;
	v14 =	vshll.u32 v18, $0x7;
	v7 =	vadd.f32 v16, v22  }
0xd4: {  	s19 =	sadd.s32 $0x40, s19;
	v9 =	vmul.f32 $2.000000030e-01, v5;
	v16 =	vand.u32 $0xFFFFFC00, v20;
	v8 =	vmul.f32 $2.000000030e-01, v6  }
0xd5: {  	v4 =	vadd.s32 v4, v11;
	v60 =	vadd.s32 v17, v15;
	vm1 =	vmmov vm1  }
0xd6: {  	vm2 =	vmmov vm2;
	v12 =	vand.u32 $0x380, v12;
	v13 =	vand.u32 $0x380, v13  }
0xd7: {  	v10 =	vadd.s32 v16, v10;
	v14 =	vand.u32 $0x380, v14;
	v4 =	vor.u32 v12, v4  }
0xd8: {  	v1 =	vand.u32 $0x7F, v1;
	v11 =	vor.u32 v13, v60;
	v2 =	vor.u32 v2, v4  }
0xd9: {  	v3 =	vand.u32 $0x7F, v3;
	v61 =	vor.u32 v14, v10;
	v1 =	vor.u32 v1, v11  }
0xda: {  	v62 =	vmul.f32 $2.000000030e-01, v7;
	v3 =	vor.u32 v3, v61  }
0xdb: {  	vm3 =	vge.f32 v7, $0.0e+00  }
0xdc: {  	vm4 =	vge.f32 v5, $0.0e+00;
	v63 =	vsel vm3, v7, v62  }
0xdd: {  	vm15 =	vge.f32 v6, $0.0e+00;
	s16 =	sadd.s32 $0x1, s16;
	v5 =	vsel vm4, v5, v9;
	[tilespmem:v2+s15+$0x0] =	vst.idx.msk vm0, v63  }
0xde: {  	p0 =	sne.s32 s16, s9;
	v2 =	vsel vm15, v6, v8;
	[tilespmem:v1+s15+$0x0] =	vst.idx.msk vm1, v5  }
.Ltmp2:
0xdf: {  	[tilespmem:v3+s15+$0x0] =	vst.idx.msk vm2, v2;
	(pc) =	sbr.rel @p0 .LBB2_1-.Ltmp2, $4  }
0xe0: {  	[hbm4b:s8+s3] =	stream.linear.scatter [tilespmem:s15], [sflag:$0x1], $0x8000, $0x38;
	[tilespmem:$0xC480] =	vst v63  }
0xe1: {  	_ =	swait.ge [sflag:s10], $0x8000  }
0xe2: {  	[sflag:s10] =	ssyncset.done $0x0  }
0xe3: {  	[sflag:s10] =	ssyncadd.s32 $0xFFFF8000  }
0xe4: {  	_ =	sfence.sel $0x180000  }
0xe5: {  	[bflag:$0x0] =	sbarrier.arrive $0xFFFF  }
0xe6: {  	_ =	strace $0x90000047  }
0xe7: {  	s0 =	stileid.u32;
	[bflag:$0x2] =	sbarrier.arrive $0xFFFF  }
0xe8: {  	p0 =	sne.s32 s0, $0x0;
	s0 =	rddreg [dreg:$0x2]  }
0xe9: {  	s0 =	sadd.s32 @!p0 $0x100000, s0  }
0xea: {  	[sflag:s0] =	ssyncadd.tile.s32 @!p0 $0x1;
	_ =	shalt  }
.Lfunc_end2:
_tile_overlayer_lowered:
.L_overlay_start_2:
0xeb: {  	(tag) =	ssettag $0x2  }
0xec: {  	s0 =	rddreg [dreg:$0x0];
	s2 =	stileid.u32  }
0xed: {  	s1 =	rddreg [dreg:$0x1];
	p0 =	sne.s32 s2, $0x0  }
0xee: {  	s3 =	rddreg [dreg:$0x2];
	[bflag:$0x3] =	sbarrier.arrive $0xFFFF;
	s2 =	simm.s32 @!p0 $0x1C01  }
0xef: {  	[timem:s3], [sflag:s2] =	dma.local @!p0 [hbm:s0], s1  }
0xf0: {  	s0 =	simm.s32 @!p0 $0x1  }
0xf1: {  	_ =	swait.ge @!p0 [sflag:s0], s1  }
0xf2: {  	s1 =	ssub.s32 @!p0 $0x0, s1;
	[sflag:s0] =	ssyncset.done @!p0 $0x0  }
0xf3: {  	[sflag:s0] =	ssyncadd.s32 @!p0 s1  }
0xf4: {  	[bflag:$0x3] =	sbarrier.arrive $0xFFFF  }
0xf5: {  	_ =	shalt  }

</sc_bundles>
